<compile_context>
chip_gen: v7x
topology: tpu7x:2x2x1
jax: 0.10.2.dev20260603
libtpu: 0.0.44.dev20260713+nightly
codegen_flags: <defaults>
</compile_context>

<pallas_src>
import jax
import jax.numpy as jnp
from jax import lax
from jax.experimental import pallas as pl
from jax.experimental.pallas import tpu as pltpu
from jax.experimental.pallas import tpu_sc as plsc

_NF, _V, _D, _B = 26, 100000, 32, 16384
_NC = 2
_NW = 32
_NP = _NF * _D
_PPW = _NP // _NW
_BCH = 4096
_NBCH = _B // _BCH
_NT = _PPW * _NBCH
_UNROLL = 16


def _body(tab_hbm, idx_hbm, out_hbm, plane_v, idx_v, res0_v, res1_v, ws0, ws1):
    wid = lax.axis_index("s") * _NC + lax.axis_index("c")
    res = (res0_v, res1_v)
    wsem = (ws0, ws1)

    def chunk(t, f_prev, s, drain):
        k = t // _NBCH
        c = t % _NBCH
        p = wid * _PPW + k
        f = p // _D
        d = p % _D

        @pl.when(c == 0)
        def _():
            pltpu.sync_copy(tab_hbm.at[f, d], plane_v)

        @pl.when(f != f_prev)
        def _():
            pltpu.sync_copy(idx_hbm.at[f], idx_v)

        if drain:
            pltpu.make_async_copy(
                res[s], out_hbm.at[p, pl.ds(c * _BCH, _BCH)], wsem[s]
            ).wait()

        @plsc.parallel_loop(0, _BCH, 16, unroll=_UNROLL)
        def _(i):
            iv = idx_v[pl.ds(c * _BCH + i, 16)]
            res[s][pl.ds(i, 16)] = plsc.load_gather(plane_v, [iv])
        pltpu.async_copy(res[s], out_hbm.at[p, pl.ds(c * _BCH, _BCH)], wsem[s])
        return f

    f_prev = chunk(0, jnp.int32(-1), 0, False)
    f_prev = chunk(1, f_prev, 1, False)

    def pair(g, f_prev):
        t = g * 2
        f_prev = chunk(t, f_prev, 0, True)
        f_prev = chunk(t + 1, f_prev, 1, True)
        return f_prev

    lax.fori_loop(1, _NT // 2, pair, f_prev)

    for s in range(2):
        pltpu.make_async_copy(
            res[s], out_hbm.at[_NP - 1, pl.ds(0, _BCH)], wsem[s]
        ).wait()


@jax.jit
def kernel(x_cat, tables):
    tab_t = jnp.transpose(tables, (0, 2, 1))
    idx_t = jnp.transpose(x_cat.astype(jnp.int32), (1, 0))

    mesh = plsc.VectorSubcoreMesh(core_axis_name="c", subcore_axis_name="s")
    run = pl.kernel(
        _body,
        out_type=jax.ShapeDtypeStruct((_NP, _B), jnp.float32),
        mesh=mesh,
        scratch_types=[
            pltpu.VMEM((_V,), jnp.float32),
            pltpu.VMEM((_B,), jnp.int32),
            pltpu.VMEM((_BCH,), jnp.float32),
            pltpu.VMEM((_BCH,), jnp.float32),
            pltpu.SemaphoreType.DMA,
            pltpu.SemaphoreType.DMA,
        ],
        compiler_params=pltpu.CompilerParams(needs_layout_passes=False),
    )
    out_t = run(tab_t, idx_t)
    return jnp.transpose(out_t, (1, 0))

# --- scband reference (transcript-rebuilt; emitter-appended) ---
"""Pipeline reference for scband-categorical-embeddings-91319594647836 (READ-ONLY COPY).

The authoritative reference and input builder live on the scoring server;
editing this copy changes nothing except your own understanding.
"""

import jax, jax.numpy as jnp
import numpy as np

N_FIELDS = 26
VOCAB = 100000
D_CAT = 32
BATCH = 16384


def setup_inputs(seed: int = 0) -> dict:
    key = jax.random.key(seed)
    k_idx, k_tab = jax.random.split(key)
    x_cat = jax.random.randint(k_idx, (BATCH, N_FIELDS), 0, VOCAB, dtype=jnp.int64 if jax.config.jax_enable_x64 else jnp.int32)
    # One embedding table per categorical field, stacked: [n_fields, vocab, d_cat]
    tables = jax.random.normal(k_tab, (N_FIELDS, VOCAB, D_CAT), dtype=jnp.float32) * 0.02
    return {"x_cat": x_cat, "tables": tables}


def reference(x_cat, tables):
    # Faithful translation: per-field embedding lookup, then concat along feature dim.
    outs = []
    for i in range(N_FIELDS):
        emb_i = jnp.take(tables[i], x_cat[:, i], axis=0)  # (batch, d_cat)
        outs.append(emb_i)
    return jnp.concatenate(outs, axis=-1)  # (batch, n_fields * d_cat)

if __name__ == "__main__":
    import jax
    _d = setup_inputs()
    print(jax.jit(kernel)(*tuple(_d.values())))

</pallas_src>

<mosaic_0001>
#map = affine_map<(d0, d1) -> (0, 0, 0)>
#map1 = affine_map<(d0, d1) -> (0, 0)>
module attributes {stable_mosaic.version = 14 : i64} {
  func.func @_body(%arg0: i32, %arg1: i32, %arg2: memref<26x32x100000xf32, #tpu.memory_space<hbm>>, %arg3: memref<26x16384xi32, #tpu.memory_space<hbm>>, %arg4: memref<832x16384xf32, #tpu.memory_space<hbm>>, %arg5: memref<100000xf32, #tpu.memory_space<vmem>>, %arg6: memref<16384xi32, #tpu.memory_space<vmem>>, %arg7: memref<4096xf32, #tpu.memory_space<vmem>>, %arg8: memref<4096xf32, #tpu.memory_space<vmem>>, %arg9: memref<!tpu.dma_semaphore, #tpu.memory_space<semaphore_mem>>, %arg10: memref<!tpu.dma_semaphore, #tpu.memory_space<semaphore_mem>>) attributes {dimension_semantics = [#tpu.dimension_semantics<core_parallel>, #tpu.dimension_semantics<subcore_parallel>], iteration_bounds = array<i64: 2, 16>, scalar_prefetch = 0 : i64, scratch_operands = 6 : i64, tpu.core_type = #tpu.core_type<sc_vector_subcore>, window_params = [{transform_indices = #map}, {transform_indices = #map1}, {transform_indices = #map1}]} {
    %mul3A = arith.constant 2 : i32
    %mul3A_0 = arith.muli %arg1, %mul3A : i32
    %add3A = arith.addi %mul3A_0, %arg0 : i32
    %mul3A_1 = arith.constant 26 : i32
    %mul3A_2 = arith.muli %add3A, %mul3A_1 : i32
    %add3A_3 = arith.constant 0 : i32
    %add3A_4 = arith.addi %mul3A_2, %add3A_3 : i32
    %jit3A = arith.constant 32 : i32
    %div3A = arith.divsi %add3A_4, %jit3A : i32
    %sign3A = arith.constant 0 : i32
    %sign3A_5 = arith.cmpi sgt, %add3A_4, %sign3A : i32
    %sign3A_6 = arith.extui %sign3A_5 : i1 to i32
    %sign3A_7 = arith.constant 0 : i32
    %sign3A_8 = arith.cmpi slt, %add3A_4, %sign3A_7 : i32
    %sign3A_9 = arith.extui %sign3A_8 : i1 to i32
    %sign3A_10 = arith.subi %sign3A_6, %sign3A_9 : i32
    %sign3A_11 = arith.constant 0 : i32
    %sign3A_12 = arith.cmpi sgt, %jit3A, %sign3A_11 : i32
    %sign3A_13 = arith.extui %sign3A_12 : i1 to i32
    %sign3A_14 = arith.constant 0 : i32
    %sign3A_15 = arith.cmpi slt, %jit3A, %sign3A_14 : i32
    %sign3A_16 = arith.extui %sign3A_15 : i1 to i32
    %sign3A_17 = arith.subi %sign3A_13, %sign3A_16 : i32
    %ne3A = arith.cmpi ne, %sign3A_10, %sign3A_17 : i32
    %rem3A = arith.remsi %add3A_4, %jit3A : i32
    %ne3A_18 = arith.constant 0 : i32
    %ne3A_19 = arith.cmpi ne, %rem3A, %ne3A_18 : i32
    %and3A = arith.andi %ne3A, %ne3A_19 : i1
    %sub3A = arith.constant 1 : i32
    %sub3A_20 = arith.subi %div3A, %sub3A : i32
    %select_n3A = arith.select %and3A, %sub3A_20, %div3A : i32
    %jit3A_21 = arith.constant 32 : i32
    %eq3A = arith.constant 0 : i32
    %eq3A_22 = arith.cmpi eq, %jit3A_21, %eq3A : i32
    %jit3A_23 = arith.constant 1 : i32
    %select_n3A_24 = arith.select %eq3A_22, %jit3A_23, %jit3A_21 : i32
    %rem3A_25 = arith.remsi %add3A_4, %select_n3A_24 : i32
    %ne3A_26 = arith.constant 0 : i32
    %ne3A_27 = arith.cmpi ne, %rem3A_25, %ne3A_26 : i32
    %lt3A = arith.constant 0 : i32
    %lt3A_28 = arith.cmpi slt, %rem3A_25, %lt3A : i32
    %lt3A_29 = arith.constant 0 : i32
    %lt3A_30 = arith.cmpi slt, %select_n3A_24, %lt3A_29 : i32
    %ne3A_31 = arith.xori %lt3A_28, %lt3A_30 : i1
    %and3A_32 = arith.andi %ne3A_31, %ne3A_27 : i1
    %add3A_33 = arith.addi %rem3A_25, %select_n3A_24 : i32
    %select_n3A_34 = arith.select %and3A_32, %add3A_33, %rem3A_25 : i32
    "tpu.region"() ({
      %run_scoped3A = tpu.sem_alloc : memref<!tpu.dma_semaphore, #tpu.memory_space<semaphore_mem>>
      %dma_start3A_120 = arith.constant 0 : i32
      %dma_start3A_121 = tpu.memref_slice %arg2[%select_n3A, %select_n3A_34, %dma_start3A_120] : memref<26x32x100000xf32, #tpu.memory_space<hbm>> -> memref<1x1x100000xf32, #tpu.memory_space<hbm>>
      %dma_start3A_122 = tpu.memref_squeeze %dma_start3A_121 : memref<1x1x100000xf32, #tpu.memory_space<hbm>> -> memref<100000xf32, #tpu.memory_space<hbm>>
      %dma_start3A_123 = arith.constant 0 : i32
      %dma_start3A_124 = tpu.memref_slice %arg2[%select_n3A, %select_n3A_34, %dma_start3A_123] : memref<26x32x100000xf32, #tpu.memory_space<hbm>> -> memref<1x1x100000xf32, #tpu.memory_space<hbm>>
      %dma_start3A_125 = tpu.memref_squeeze %dma_start3A_124 : memref<1x1x100000xf32, #tpu.memory_space<hbm>> -> memref<100000xf32, #tpu.memory_space<hbm>>
      tpu.enqueue_dma source(%dma_start3A_125 : memref<100000xf32, #tpu.memory_space<hbm>>) target(%arg5 : memref<100000xf32, #tpu.memory_space<vmem>>) target_semaphore(%run_scoped3A : memref<!tpu.dma_semaphore, #tpu.memory_space<semaphore_mem>>)
      %dma_wait3A_126 = arith.constant 0 : i32
      %dma_wait3A_127 = tpu.memref_slice %arg2[%select_n3A, %select_n3A_34, %dma_wait3A_126] : memref<26x32x100000xf32, #tpu.memory_space<hbm>> -> memref<1x1x100000xf32, #tpu.memory_space<hbm>>
      %dma_wait3A_128 = tpu.memref_squeeze %dma_wait3A_127 : memref<1x1x100000xf32, #tpu.memory_space<hbm>> -> memref<100000xf32, #tpu.memory_space<hbm>>
      %dma_wait3A_129 = arith.constant 0 : i32
      %dma_wait3A_130 = tpu.memref_slice %arg2[%select_n3A, %select_n3A_34, %dma_wait3A_129] : memref<26x32x100000xf32, #tpu.memory_space<hbm>> -> memref<1x1x100000xf32, #tpu.memory_space<hbm>>
      %dma_wait3A_131 = tpu.memref_squeeze %dma_wait3A_130 : memref<1x1x100000xf32, #tpu.memory_space<hbm>> -> memref<100000xf32, #tpu.memory_space<hbm>>
      tpu.wait_dma2 semaphore(%run_scoped3A : memref<!tpu.dma_semaphore, #tpu.memory_space<semaphore_mem>>) src(%dma_wait3A_131 : memref<100000xf32, #tpu.memory_space<hbm>>) dst(%arg5 : memref<100000xf32, #tpu.memory_space<vmem>>)
      tpu.yield
    }) : () -> ()
    %ne3A_35 = arith.constant -1 : i32
    %ne3A_36 = arith.cmpi ne, %select_n3A, %ne3A_35 : i32
    %convert_element_type3A = arith.extui %ne3A_36 : i1 to i32
    %cond3A = arith.constant 0 : i32
    %cond3A_37 = arith.cmpi ne, %convert_element_type3A, %cond3A : i32
    scf.if %cond3A_37 {
      "tpu.region"() ({
        %run_scoped3A = tpu.sem_alloc : memref<!tpu.dma_semaphore, #tpu.memory_space<semaphore_mem>>
        %dma_start3A_120 = arith.constant 0 : i32
        %dma_start3A_121 = tpu.memref_slice %arg3[%select_n3A, %dma_start3A_120] : memref<26x16384xi32, #tpu.memory_space<hbm>> -> memref<1x16384xi32, #tpu.memory_space<hbm>>
        %dma_start3A_122 = tpu.memref_squeeze %dma_start3A_121 : memref<1x16384xi32, #tpu.memory_space<hbm>> -> memref<16384xi32, #tpu.memory_space<hbm>>
        %dma_start3A_123 = arith.constant 0 : i32
        %dma_start3A_124 = tpu.memref_slice %arg3[%select_n3A, %dma_start3A_123] : memref<26x16384xi32, #tpu.memory_space<hbm>> -> memref<1x16384xi32, #tpu.memory_space<hbm>>
        %dma_start3A_125 = tpu.memref_squeeze %dma_start3A_124 : memref<1x16384xi32, #tpu.memory_space<hbm>> -> memref<16384xi32, #tpu.memory_space<hbm>>
        tpu.enqueue_dma source(%dma_start3A_125 : memref<16384xi32, #tpu.memory_space<hbm>>) target(%arg6 : memref<16384xi32, #tpu.memory_space<vmem>>) target_semaphore(%run_scoped3A : memref<!tpu.dma_semaphore, #tpu.memory_space<semaphore_mem>>)
        %dma_wait3A_126 = arith.constant 0 : i32
        %dma_wait3A_127 = tpu.memref_slice %arg3[%select_n3A, %dma_wait3A_126] : memref<26x16384xi32, #tpu.memory_space<hbm>> -> memref<1x16384xi32, #tpu.memory_space<hbm>>
        %dma_wait3A_128 = tpu.memref_squeeze %dma_wait3A_127 : memref<1x16384xi32, #tpu.memory_space<hbm>> -> memref<16384xi32, #tpu.memory_space<hbm>>
        %dma_wait3A_129 = arith.constant 0 : i32
        %dma_wait3A_130 = tpu.memref_slice %arg3[%select_n3A, %dma_wait3A_129] : memref<26x16384xi32, #tpu.memory_space<hbm>> -> memref<1x16384xi32, #tpu.memory_space<hbm>>
        %dma_wait3A_131 = tpu.memref_squeeze %dma_wait3A_130 : memref<1x16384xi32, #tpu.memory_space<hbm>> -> memref<16384xi32, #tpu.memory_space<hbm>>
        tpu.wait_dma2 semaphore(%run_scoped3A : memref<!tpu.dma_semaphore, #tpu.memory_space<semaphore_mem>>) src(%dma_wait3A_131 : memref<16384xi32, #tpu.memory_space<hbm>>) dst(%arg6 : memref<16384xi32, #tpu.memory_space<vmem>>)
        tpu.yield
      }) : () -> ()
    } else {
    }
    %parallel_loop3A = arith.constant 0 : i32
    %parallel_loop3A_38 = arith.constant 4096 : i32
    %parallel_loop3A_39 = arith.constant 16 : i32
    scf.for %parallel_loop3A_120 = %parallel_loop3A to %parallel_loop3A_38 step %parallel_loop3A_39  : i32 {
      %parallel_loop3A_121 = arith.constant 0 : i32
      %parallel_loop3A_122 = arith.addi %parallel_loop3A_121, %parallel_loop3A_120 : i32
      %parallel_loop3A_123 = arith.index_cast %parallel_loop3A_122 : i32 to index
      %parallel_loop3A_124 = tpu.vector_load %arg6[%parallel_loop3A_123] {strides = array<i32>} : memref<16384xi32, #tpu.memory_space<vmem>>, vector<16xi32>,
      %parallel_loop3A_125 = tpu.vector_load_idx %arg5[%parallel_loop3A_124] : memref<100000xf32, #tpu.memory_space<vmem>>[vector<16xi32>], vector<16xf32>,
      %parallel_loop3A_126 = arith.index_cast %parallel_loop3A_120 : i32 to index
      %parallel_loop3A_127 = tpu.vector_load %arg7[%parallel_loop3A_126] {strides = array<i32>} : memref<4096xf32, #tpu.memory_space<vmem>>, vector<16xf32>,
      tpu.vector_store %arg7[%parallel_loop3A_126], %parallel_loop3A_125 {strides = array<i32>} : memref<4096xf32, #tpu.memory_space<vmem>>, vector<16xf32>,
    } {sc.loop_unroll_factor = 16 : i64, sc.parallel_access}
    %dma_start3A = arith.constant 0 : i32
    %dma_start3A_40 = tpu.memref_slice %arg4[%add3A_4, %dma_start3A] : memref<832x16384xf32, #tpu.memory_space<hbm>> -> memref<1x4096xf32, #tpu.memory_space<hbm>>
    %dma_start3A_41 = tpu.memref_squeeze %dma_start3A_40 : memref<1x4096xf32, #tpu.memory_space<hbm>> -> memref<4096xf32, #tpu.memory_space<hbm>>
    %dma_start3A_42 = arith.constant 0 : i32
    %dma_start3A_43 = tpu.memref_slice %arg4[%add3A_4, %dma_start3A_42] : memref<832x16384xf32, #tpu.memory_space<hbm>> -> memref<1x4096xf32, #tpu.memory_space<hbm>>
    %dma_start3A_44 = tpu.memref_squeeze %dma_start3A_43 : memref<1x4096xf32, #tpu.memory_space<hbm>> -> memref<4096xf32, #tpu.memory_space<hbm>>
    tpu.enqueue_dma source(%arg7 : memref<4096xf32, #tpu.memory_space<vmem>>) target(%dma_start3A_44 : memref<4096xf32, #tpu.memory_space<hbm>>) target_semaphore(%arg9 : memref<!tpu.dma_semaphore, #tpu.memory_space<semaphore_mem>>)
    %mul3A_45 = arith.constant 26 : i32
    %mul3A_46 = arith.muli %add3A, %mul3A_45 : i32
    %add3A_47 = arith.constant 0 : i32
    %add3A_48 = arith.addi %mul3A_46, %add3A_47 : i32
    %jit3A_49 = arith.constant 32 : i32
    %div3A_50 = arith.divsi %add3A_48, %jit3A_49 : i32
    %sign3A_51 = arith.constant 0 : i32
    %sign3A_52 = arith.cmpi sgt, %add3A_48, %sign3A_51 : i32
    %sign3A_53 = arith.extui %sign3A_52 : i1 to i32
    %sign3A_54 = arith.constant 0 : i32
    %sign3A_55 = arith.cmpi slt, %add3A_48, %sign3A_54 : i32
    %sign3A_56 = arith.extui %sign3A_55 : i1 to i32
    %sign3A_57 = arith.subi %sign3A_53, %sign3A_56 : i32
    %sign3A_58 = arith.constant 0 : i32
    %sign3A_59 = arith.cmpi sgt, %jit3A_49, %sign3A_58 : i32
    %sign3A_60 = arith.extui %sign3A_59 : i1 to i32
    %sign3A_61 = arith.constant 0 : i32
    %sign3A_62 = arith.cmpi slt, %jit3A_49, %sign3A_61 : i32
    %sign3A_63 = arith.extui %sign3A_62 : i1 to i32
    %sign3A_64 = arith.subi %sign3A_60, %sign3A_63 : i32
    %ne3A_65 = arith.cmpi ne, %sign3A_57, %sign3A_64 : i32
    %rem3A_66 = arith.remsi %add3A_48, %jit3A_49 : i32
    %ne3A_67 = arith.constant 0 : i32
    %ne3A_68 = arith.cmpi ne, %rem3A_66, %ne3A_67 : i32
    %and3A_69 = arith.andi %ne3A_65, %ne3A_68 : i1
    %sub3A_70 = arith.constant 1 : i32
    %sub3A_71 = arith.subi %div3A_50, %sub3A_70 : i32
    %select_n3A_72 = arith.select %and3A_69, %sub3A_71, %div3A_50 : i32
    %jit3A_73 = arith.constant 32 : i32
    %eq3A_74 = arith.constant 0 : i32
    %eq3A_75 = arith.cmpi eq, %jit3A_73, %eq3A_74 : i32
    %jit3A_76 = arith.constant 1 : i32
    %select_n3A_77 = arith.select %eq3A_75, %jit3A_76, %jit3A_73 : i32
    %rem3A_78 = arith.remsi %add3A_48, %select_n3A_77 : i32
    %ne3A_79 = arith.constant 0 : i32
    %ne3A_80 = arith.cmpi ne, %rem3A_78, %ne3A_79 : i32
    %lt3A_81 = arith.constant 0 : i32
    %lt3A_82 = arith.cmpi slt, %rem3A_78, %lt3A_81 : i32
    %lt3A_83 = arith.constant 0 : i32
    %lt3A_84 = arith.cmpi slt, %select_n3A_77, %lt3A_83 : i32
    %ne3A_85 = arith.xori %lt3A_82, %lt3A_84 : i1
    %and3A_86 = arith.andi %ne3A_85, %ne3A_80 : i1
    %add3A_87 = arith.addi %rem3A_78, %select_n3A_77 : i32
    %select_n3A_88 = arith.select %and3A_86, %add3A_87, %rem3A_78 : i32
    %ne3A_89 = arith.cmpi ne, %select_n3A_72, %select_n3A : i32
    %convert_element_type3A_90 = arith.extui %ne3A_89 : i1 to i32
    %cond3A_91 = arith.constant 0 : i32
    %cond3A_92 = arith.cmpi ne, %convert_element_type3A_90, %cond3A_91 : i32
    scf.if %cond3A_92 {
      "tpu.region"() ({
        %run_scoped3A = tpu.sem_alloc : memref<!tpu.dma_semaphore, #tpu.memory_space<semaphore_mem>>
        %dma_start3A_120 = arith.constant 0 : i32
        %dma_start3A_121 = tpu.memref_slice %arg3[%select_n3A_72, %dma_start3A_120] : memref<26x16384xi32, #tpu.memory_space<hbm>> -> memref<1x16384xi32, #tpu.memory_space<hbm>>
        %dma_start3A_122 = tpu.memref_squeeze %dma_start3A_121 : memref<1x16384xi32, #tpu.memory_space<hbm>> -> memref<16384xi32, #tpu.memory_space<hbm>>
        %dma_start3A_123 = arith.constant 0 : i32
        %dma_start3A_124 = tpu.memref_slice %arg3[%select_n3A_72, %dma_start3A_123] : memref<26x16384xi32, #tpu.memory_space<hbm>> -> memref<1x16384xi32, #tpu.memory_space<hbm>>
        %dma_start3A_125 = tpu.memref_squeeze %dma_start3A_124 : memref<1x16384xi32, #tpu.memory_space<hbm>> -> memref<16384xi32, #tpu.memory_space<hbm>>
        tpu.enqueue_dma source(%dma_start3A_125 : memref<16384xi32, #tpu.memory_space<hbm>>) target(%arg6 : memref<16384xi32, #tpu.memory_space<vmem>>) target_semaphore(%run_scoped3A : memref<!tpu.dma_semaphore, #tpu.memory_space<semaphore_mem>>)
        %dma_wait3A_126 = arith.constant 0 : i32
        %dma_wait3A_127 = tpu.memref_slice %arg3[%select_n3A_72, %dma_wait3A_126] : memref<26x16384xi32, #tpu.memory_space<hbm>> -> memref<1x16384xi32, #tpu.memory_space<hbm>>
        %dma_wait3A_128 = tpu.memref_squeeze %dma_wait3A_127 : memref<1x16384xi32, #tpu.memory_space<hbm>> -> memref<16384xi32, #tpu.memory_space<hbm>>
        %dma_wait3A_129 = arith.constant 0 : i32
        %dma_wait3A_130 = tpu.memref_slice %arg3[%select_n3A_72, %dma_wait3A_129] : memref<26x16384xi32, #tpu.memory_space<hbm>> -> memref<1x16384xi32, #tpu.memory_space<hbm>>
        %dma_wait3A_131 = tpu.memref_squeeze %dma_wait3A_130 : memref<1x16384xi32, #tpu.memory_space<hbm>> -> memref<16384xi32, #tpu.memory_space<hbm>>
        tpu.wait_dma2 semaphore(%run_scoped3A : memref<!tpu.dma_semaphore, #tpu.memory_space<semaphore_mem>>) src(%dma_wait3A_131 : memref<16384xi32, #tpu.memory_space<hbm>>) dst(%arg6 : memref<16384xi32, #tpu.memory_space<vmem>>)
        tpu.yield
      }) : () -> ()
    } else {
    }
    %parallel_loop3A_93 = arith.constant 0 : i32
    %parallel_loop3A_94 = arith.constant 4096 : i32
    %parallel_loop3A_95 = arith.constant 16 : i32
    scf.for %parallel_loop3A_120 = %parallel_loop3A_93 to %parallel_loop3A_94 step %parallel_loop3A_95  : i32 {
      %parallel_loop3A_121 = arith.constant 4096 : i32
      %parallel_loop3A_122 = arith.addi %parallel_loop3A_121, %parallel_loop3A_120 : i32
      %parallel_loop3A_123 = arith.index_cast %parallel_loop3A_122 : i32 to index
      %parallel_loop3A_124 = tpu.vector_load %arg6[%parallel_loop3A_123] {strides = array<i32>} : memref<16384xi32, #tpu.memory_space<vmem>>, vector<16xi32>,
      %parallel_loop3A_125 = tpu.vector_load_idx %arg5[%parallel_loop3A_124] : memref<100000xf32, #tpu.memory_space<vmem>>[vector<16xi32>], vector<16xf32>,
      %parallel_loop3A_126 = arith.index_cast %parallel_loop3A_120 : i32 to index
      %parallel_loop3A_127 = tpu.vector_load %arg8[%parallel_loop3A_126] {strides = array<i32>} : memref<4096xf32, #tpu.memory_space<vmem>>, vector<16xf32>,
      tpu.vector_store %arg8[%parallel_loop3A_126], %parallel_loop3A_125 {strides = array<i32>} : memref<4096xf32, #tpu.memory_space<vmem>>, vector<16xf32>,
    } {sc.loop_unroll_factor = 16 : i64, sc.parallel_access}
    %dma_start3A_96 = arith.constant 4096 : i32
    %dma_start3A_97 = tpu.memref_slice %arg4[%add3A_48, %dma_start3A_96] : memref<832x16384xf32, #tpu.memory_space<hbm>> -> memref<1x4096xf32, #tpu.memory_space<hbm>>
    %dma_start3A_98 = tpu.memref_squeeze %dma_start3A_97 : memref<1x4096xf32, #tpu.memory_space<hbm>> -> memref<4096xf32, #tpu.memory_space<hbm>>
    %dma_start3A_99 = arith.constant 4096 : i32
    %dma_start3A_100 = tpu.memref_slice %arg4[%add3A_48, %dma_start3A_99] : memref<832x16384xf32, #tpu.memory_space<hbm>> -> memref<1x4096xf32, #tpu.memory_space<hbm>>
    %dma_start3A_101 = tpu.memref_squeeze %dma_start3A_100 : memref<1x4096xf32, #tpu.memory_space<hbm>> -> memref<4096xf32, #tpu.memory_space<hbm>>
    tpu.enqueue_dma source(%arg8 : memref<4096xf32, #tpu.memory_space<vmem>>) target(%dma_start3A_101 : memref<4096xf32, #tpu.memory_space<hbm>>) target_semaphore(%arg10 : memref<!tpu.dma_semaphore, #tpu.memory_space<semaphore_mem>>)
    %scan3A = arith.constant 1 : i32
    %scan3A_102 = arith.constant 51 : i32
    %scan3A_103 = arith.addi %scan3A, %scan3A_102 : i32
    %scan3A_104 = arith.constant 1 : i32
    %scan3A_105 = scf.for %scan3A_120 = %scan3A to %scan3A_103 step %scan3A_104 iter_args(%scan3A_121 = %select_n3A_72) -> (i32)  : i32 {
      %mul3A_122 = arith.constant 2 : i32
      %mul3A_123 = arith.muli %scan3A_120, %mul3A_122 : i32
      %jit3A_124 = arith.constant 4 : i32
      %div3A_125 = arith.divsi %mul3A_123, %jit3A_124 : i32
      %sign3A_126 = arith.constant 0 : i32
      %sign3A_127 = arith.cmpi sgt, %mul3A_123, %sign3A_126 : i32
      %sign3A_128 = arith.extui %sign3A_127 : i1 to i32
      %sign3A_129 = arith.constant 0 : i32
      %sign3A_130 = arith.cmpi slt, %mul3A_123, %sign3A_129 : i32
      %sign3A_131 = arith.extui %sign3A_130 : i1 to i32
      %sign3A_132 = arith.subi %sign3A_128, %sign3A_131 : i32
      %sign3A_133 = arith.constant 0 : i32
      %sign3A_134 = arith.cmpi sgt, %jit3A_124, %sign3A_133 : i32
      %sign3A_135 = arith.extui %sign3A_134 : i1 to i32
      %sign3A_136 = arith.constant 0 : i32
      %sign3A_137 = arith.cmpi slt, %jit3A_124, %sign3A_136 : i32
      %sign3A_138 = arith.extui %sign3A_137 : i1 to i32
      %sign3A_139 = arith.subi %sign3A_135, %sign3A_138 : i32
      %ne3A_140 = arith.cmpi ne, %sign3A_132, %sign3A_139 : i32
      %rem3A_141 = arith.remsi %mul3A_123, %jit3A_124 : i32
      %ne3A_142 = arith.constant 0 : i32
      %ne3A_143 = arith.cmpi ne, %rem3A_141, %ne3A_142 : i32
      %and3A_144 = arith.andi %ne3A_140, %ne3A_143 : i1
      %sub3A_145 = arith.constant 1 : i32
      %sub3A_146 = arith.subi %div3A_125, %sub3A_145 : i32
      %select_n3A_147 = arith.select %and3A_144, %sub3A_146, %div3A_125 : i32
      %jit3A_148 = arith.constant 4 : i32
      %eq3A_149 = arith.constant 0 : i32
      %eq3A_150 = arith.cmpi eq, %jit3A_148, %eq3A_149 : i32
      %jit3A_151 = arith.constant 1 : i32
      %select_n3A_152 = arith.select %eq3A_150, %jit3A_151, %jit3A_148 : i32
      %rem3A_153 = arith.remsi %mul3A_123, %select_n3A_152 : i32
      %ne3A_154 = arith.constant 0 : i32
      %ne3A_155 = arith.cmpi ne, %rem3A_153, %ne3A_154 : i32
      %lt3A_156 = arith.constant 0 : i32
      %lt3A_157 = arith.cmpi slt, %rem3A_153, %lt3A_156 : i32
      %lt3A_158 = arith.constant 0 : i32
      %lt3A_159 = arith.cmpi slt, %select_n3A_152, %lt3A_158 : i32
      %ne3A_160 = arith.xori %lt3A_157, %lt3A_159 : i1
      %and3A_161 = arith.andi %ne3A_160, %ne3A_155 : i1
      %add3A_162 = arith.addi %rem3A_153, %select_n3A_152 : i32
      %select_n3A_163 = arith.select %and3A_161, %add3A_162, %rem3A_153 : i32
      %mul3A_164 = arith.constant 26 : i32
      %mul3A_165 = arith.muli %add3A, %mul3A_164 : i32
      %add3A_166 = arith.addi %mul3A_165, %select_n3A_147 : i32
      %jit3A_167 = arith.constant 32 : i32
      %div3A_168 = arith.divsi %add3A_166, %jit3A_167 : i32
      %sign3A_169 = arith.constant 0 : i32
      %sign3A_170 = arith.cmpi sgt, %add3A_166, %sign3A_169 : i32
      %sign3A_171 = arith.extui %sign3A_170 : i1 to i32
      %sign3A_172 = arith.constant 0 : i32
      %sign3A_173 = arith.cmpi slt, %add3A_166, %sign3A_172 : i32
      %sign3A_174 = arith.extui %sign3A_173 : i1 to i32
      %sign3A_175 = arith.subi %sign3A_171, %sign3A_174 : i32
      %sign3A_176 = arith.constant 0 : i32
      %sign3A_177 = arith.cmpi sgt, %jit3A_167, %sign3A_176 : i32
      %sign3A_178 = arith.extui %sign3A_177 : i1 to i32
      %sign3A_179 = arith.constant 0 : i32
      %sign3A_180 = arith.cmpi slt, %jit3A_167, %sign3A_179 : i32
      %sign3A_181 = arith.extui %sign3A_180 : i1 to i32
      %sign3A_182 = arith.subi %sign3A_178, %sign3A_181 : i32
      %ne3A_183 = arith.cmpi ne, %sign3A_175, %sign3A_182 : i32
      %rem3A_184 = arith.remsi %add3A_166, %jit3A_167 : i32
      %ne3A_185 = arith.constant 0 : i32
      %ne3A_186 = arith.cmpi ne, %rem3A_184, %ne3A_185 : i32
      %and3A_187 = arith.andi %ne3A_183, %ne3A_186 : i1
      %sub3A_188 = arith.constant 1 : i32
      %sub3A_189 = arith.subi %div3A_168, %sub3A_188 : i32
      %select_n3A_190 = arith.select %and3A_187, %sub3A_189, %div3A_168 : i32
      %jit3A_191 = arith.constant 32 : i32
      %eq3A_192 = arith.constant 0 : i32
      %eq3A_193 = arith.cmpi eq, %jit3A_191, %eq3A_192 : i32
      %jit3A_194 = arith.constant 1 : i32
      %select_n3A_195 = arith.select %eq3A_193, %jit3A_194, %jit3A_191 : i32
      %rem3A_196 = arith.remsi %add3A_166, %select_n3A_195 : i32
      %ne3A_197 = arith.constant 0 : i32
      %ne3A_198 = arith.cmpi ne, %rem3A_196, %ne3A_197 : i32
      %lt3A_199 = arith.constant 0 : i32
      %lt3A_200 = arith.cmpi slt, %rem3A_196, %lt3A_199 : i32
      %lt3A_201 = arith.constant 0 : i32
      %lt3A_202 = arith.cmpi slt, %select_n3A_195, %lt3A_201 : i32
      %ne3A_203 = arith.xori %lt3A_200, %lt3A_202 : i1
      %and3A_204 = arith.andi %ne3A_203, %ne3A_198 : i1
      %add3A_205 = arith.addi %rem3A_196, %select_n3A_195 : i32
      %select_n3A_206 = arith.select %and3A_204, %add3A_205, %rem3A_196 : i32
      %eq3A_207 = arith.constant 0 : i32
      %eq3A_208 = arith.cmpi eq, %select_n3A_163, %eq3A_207 : i32
      %convert_element_type3A_209 = arith.extui %eq3A_208 : i1 to i32
      %cond3A_210 = arith.constant 0 : i32
      %cond3A_211 = arith.cmpi ne, %convert_element_type3A_209, %cond3A_210 : i32
      scf.if %cond3A_211 {
        "tpu.region"() ({
          %run_scoped3A = tpu.sem_alloc : memref<!tpu.dma_semaphore, #tpu.memory_space<semaphore_mem>>
          %dma_start3A_340 = arith.constant 0 : i32
          %dma_start3A_341 = tpu.memref_slice %arg2[%select_n3A_190, %select_n3A_206, %dma_start3A_340] : memref<26x32x100000xf32, #tpu.memory_space<hbm>> -> memref<1x1x100000xf32, #tpu.memory_space<hbm>>
          %dma_start3A_342 = tpu.memref_squeeze %dma_start3A_341 : memref<1x1x100000xf32, #tpu.memory_space<hbm>> -> memref<100000xf32, #tpu.memory_space<hbm>>
          %dma_start3A_343 = arith.constant 0 : i32
          %dma_start3A_344 = tpu.memref_slice %arg2[%select_n3A_190, %select_n3A_206, %dma_start3A_343] : memref<26x32x100000xf32, #tpu.memory_space<hbm>> -> memref<1x1x100000xf32, #tpu.memory_space<hbm>>
          %dma_start3A_345 = tpu.memref_squeeze %dma_start3A_344 : memref<1x1x100000xf32, #tpu.memory_space<hbm>> -> memref<100000xf32, #tpu.memory_space<hbm>>
          tpu.enqueue_dma source(%dma_start3A_345 : memref<100000xf32, #tpu.memory_space<hbm>>) target(%arg5 : memref<100000xf32, #tpu.memory_space<vmem>>) target_semaphore(%run_scoped3A : memref<!tpu.dma_semaphore, #tpu.memory_space<semaphore_mem>>)
          %dma_wait3A_346 = arith.constant 0 : i32
          %dma_wait3A_347 = tpu.memref_slice %arg2[%select_n3A_190, %select_n3A_206, %dma_wait3A_346] : memref<26x32x100000xf32, #tpu.memory_space<hbm>> -> memref<1x1x100000xf32, #tpu.memory_space<hbm>>
          %dma_wait3A_348 = tpu.memref_squeeze %dma_wait3A_347 : memref<1x1x100000xf32, #tpu.memory_space<hbm>> -> memref<100000xf32, #tpu.memory_space<hbm>>
          %dma_wait3A_349 = arith.constant 0 : i32
          %dma_wait3A_350 = tpu.memref_slice %arg2[%select_n3A_190, %select_n3A_206, %dma_wait3A_349] : memref<26x32x100000xf32, #tpu.memory_space<hbm>> -> memref<1x1x100000xf32, #tpu.memory_space<hbm>>
          %dma_wait3A_351 = tpu.memref_squeeze %dma_wait3A_350 : memref<1x1x100000xf32, #tpu.memory_space<hbm>> -> memref<100000xf32, #tpu.memory_space<hbm>>
          tpu.wait_dma2 semaphore(%run_scoped3A : memref<!tpu.dma_semaphore, #tpu.memory_space<semaphore_mem>>) src(%dma_wait3A_351 : memref<100000xf32, #tpu.memory_space<hbm>>) dst(%arg5 : memref<100000xf32, #tpu.memory_space<vmem>>)
          tpu.yield
        }) : () -> ()
      } else {
      }
      %ne3A_212 = arith.cmpi ne, %select_n3A_190, %scan3A_121 : i32
      %convert_element_type3A_213 = arith.extui %ne3A_212 : i1 to i32
      %cond3A_214 = arith.constant 0 : i32
      %cond3A_215 = arith.cmpi ne, %convert_element_type3A_213, %cond3A_214 : i32
      scf.if %cond3A_215 {
        "tpu.region"() ({
          %run_scoped3A = tpu.sem_alloc : memref<!tpu.dma_semaphore, #tpu.memory_space<semaphore_mem>>
          %dma_start3A_340 = arith.constant 0 : i32
          %dma_start3A_341 = tpu.memref_slice %arg3[%select_n3A_190, %dma_start3A_340] : memref<26x16384xi32, #tpu.memory_space<hbm>> -> memref<1x16384xi32, #tpu.memory_space<hbm>>
          %dma_start3A_342 = tpu.memref_squeeze %dma_start3A_341 : memref<1x16384xi32, #tpu.memory_space<hbm>> -> memref<16384xi32, #tpu.memory_space<hbm>>
          %dma_start3A_343 = arith.constant 0 : i32
          %dma_start3A_344 = tpu.memref_slice %arg3[%select_n3A_190, %dma_start3A_343] : memref<26x16384xi32, #tpu.memory_space<hbm>> -> memref<1x16384xi32, #tpu.memory_space<hbm>>
          %dma_start3A_345 = tpu.memref_squeeze %dma_start3A_344 : memref<1x16384xi32, #tpu.memory_space<hbm>> -> memref<16384xi32, #tpu.memory_space<hbm>>
          tpu.enqueue_dma source(%dma_start3A_345 : memref<16384xi32, #tpu.memory_space<hbm>>) target(%arg6 : memref<16384xi32, #tpu.memory_space<vmem>>) target_semaphore(%run_scoped3A : memref<!tpu.dma_semaphore, #tpu.memory_space<semaphore_mem>>)
          %dma_wait3A_346 = arith.constant 0 : i32
          %dma_wait3A_347 = tpu.memref_slice %arg3[%select_n3A_190, %dma_wait3A_346] : memref<26x16384xi32, #tpu.memory_space<hbm>> -> memref<1x16384xi32, #tpu.memory_space<hbm>>
          %dma_wait3A_348 = tpu.memref_squeeze %dma_wait3A_347 : memref<1x16384xi32, #tpu.memory_space<hbm>> -> memref<16384xi32, #tpu.memory_space<hbm>>
          %dma_wait3A_349 = arith.constant 0 : i32
          %dma_wait3A_350 = tpu.memref_slice %arg3[%select_n3A_190, %dma_wait3A_349] : memref<26x16384xi32, #tpu.memory_space<hbm>> -> memref<1x16384xi32, #tpu.memory_space<hbm>>
          %dma_wait3A_351 = tpu.memref_squeeze %dma_wait3A_350 : memref<1x16384xi32, #tpu.memory_space<hbm>> -> memref<16384xi32, #tpu.memory_space<hbm>>
          tpu.wait_dma2 semaphore(%run_scoped3A : memref<!tpu.dma_semaphore, #tpu.memory_space<semaphore_mem>>) src(%dma_wait3A_351 : memref<16384xi32, #tpu.memory_space<hbm>>) dst(%arg6 : memref<16384xi32, #tpu.memory_space<vmem>>)
          tpu.yield
        }) : () -> ()
      } else {
      }
      %mul3A_216 = arith.constant 4096 : i32
      %mul3A_217 = arith.muli %select_n3A_163, %mul3A_216 : i32
      %dma_wait3A_218 = tpu.memref_slice %arg4[%add3A_166, %mul3A_217] : memref<832x16384xf32, #tpu.memory_space<hbm>> -> memref<1x4096xf32, #tpu.memory_space<hbm>>
      %dma_wait3A_219 = tpu.memref_squeeze %dma_wait3A_218 : memref<1x4096xf32, #tpu.memory_space<hbm>> -> memref<4096xf32, #tpu.memory_space<hbm>>
      %dma_wait3A_220 = tpu.memref_slice %arg4[%add3A_166, %mul3A_217] : memref<832x16384xf32, #tpu.memory_space<hbm>> -> memref<1x4096xf32, #tpu.memory_space<hbm>>
      %dma_wait3A_221 = tpu.memref_squeeze %dma_wait3A_220 : memref<1x4096xf32, #tpu.memory_space<hbm>> -> memref<4096xf32, #tpu.memory_space<hbm>>
      tpu.wait_dma2 semaphore(%arg9 : memref<!tpu.dma_semaphore, #tpu.memory_space<semaphore_mem>>) src(%arg7 : memref<4096xf32, #tpu.memory_space<vmem>>) dst(%dma_wait3A_221 : memref<4096xf32, #tpu.memory_space<hbm>>)
      %parallel_loop3A_222 = arith.constant 0 : i32
      %parallel_loop3A_223 = arith.constant 4096 : i32
      %parallel_loop3A_224 = arith.constant 16 : i32
      scf.for %parallel_loop3A_340 = %parallel_loop3A_222 to %parallel_loop3A_223 step %parallel_loop3A_224  : i32 {
        %parallel_loop3A_341 = arith.constant 4096 : i32
        %parallel_loop3A_342 = arith.muli %select_n3A_163, %parallel_loop3A_341 : i32
        %parallel_loop3A_343 = arith.addi %parallel_loop3A_342, %parallel_loop3A_340 : i32
        %parallel_loop3A_344 = arith.index_cast %parallel_loop3A_343 : i32 to index
        %parallel_loop3A_345 = tpu.vector_load %arg6[%parallel_loop3A_344] {strides = array<i32>} : memref<16384xi32, #tpu.memory_space<vmem>>, vector<16xi32>,
        %parallel_loop3A_346 = tpu.vector_load_idx %arg5[%parallel_loop3A_345] : memref<100000xf32, #tpu.memory_space<vmem>>[vector<16xi32>], vector<16xf32>,
        %parallel_loop3A_347 = arith.index_cast %parallel_loop3A_340 : i32 to index
        %parallel_loop3A_348 = tpu.vector_load %arg7[%parallel_loop3A_347] {strides = array<i32>} : memref<4096xf32, #tpu.memory_space<vmem>>, vector<16xf32>,
        tpu.vector_store %arg7[%parallel_loop3A_347], %parallel_loop3A_346 {strides = array<i32>} : memref<4096xf32, #tpu.memory_space<vmem>>, vector<16xf32>,
      } {sc.loop_unroll_factor = 16 : i64, sc.parallel_access}
      %mul3A_225 = arith.constant 4096 : i32
      %mul3A_226 = arith.muli %select_n3A_163, %mul3A_225 : i32
      %dma_start3A_227 = tpu.memref_slice %arg4[%add3A_166, %mul3A_226] : memref<832x16384xf32, #tpu.memory_space<hbm>> -> memref<1x4096xf32, #tpu.memory_space<hbm>>
      %dma_start3A_228 = tpu.memref_squeeze %dma_start3A_227 : memref<1x4096xf32, #tpu.memory_space<hbm>> -> memref<4096xf32, #tpu.memory_space<hbm>>
      %dma_start3A_229 = tpu.memref_slice %arg4[%add3A_166, %mul3A_226] : memref<832x16384xf32, #tpu.memory_space<hbm>> -> memref<1x4096xf32, #tpu.memory_space<hbm>>
      %dma_start3A_230 = tpu.memref_squeeze %dma_start3A_229 : memref<1x4096xf32, #tpu.memory_space<hbm>> -> memref<4096xf32, #tpu.memory_space<hbm>>
      tpu.enqueue_dma source(%arg7 : memref<4096xf32, #tpu.memory_space<vmem>>) target(%dma_start3A_230 : memref<4096xf32, #tpu.memory_space<hbm>>) target_semaphore(%arg9 : memref<!tpu.dma_semaphore, #tpu.memory_space<semaphore_mem>>)
      %add3A_231 = arith.constant 1 : i32
      %add3A_232 = arith.addi %mul3A_123, %add3A_231 : i32
      %jit3A_233 = arith.constant 4 : i32
      %div3A_234 = arith.divsi %add3A_232, %jit3A_233 : i32
      %sign3A_235 = arith.constant 0 : i32
      %sign3A_236 = arith.cmpi sgt, %add3A_232, %sign3A_235 : i32
      %sign3A_237 = arith.extui %sign3A_236 : i1 to i32
      %sign3A_238 = arith.constant 0 : i32
      %sign3A_239 = arith.cmpi slt, %add3A_232, %sign3A_238 : i32
      %sign3A_240 = arith.extui %sign3A_239 : i1 to i32
      %sign3A_241 = arith.subi %sign3A_237, %sign3A_240 : i32
      %sign3A_242 = arith.constant 0 : i32
      %sign3A_243 = arith.cmpi sgt, %jit3A_233, %sign3A_242 : i32
      %sign3A_244 = arith.extui %sign3A_243 : i1 to i32
      %sign3A_245 = arith.constant 0 : i32
      %sign3A_246 = arith.cmpi slt, %jit3A_233, %sign3A_245 : i32
      %sign3A_247 = arith.extui %sign3A_246 : i1 to i32
      %sign3A_248 = arith.subi %sign3A_244, %sign3A_247 : i32
      %ne3A_249 = arith.cmpi ne, %sign3A_241, %sign3A_248 : i32
      %rem3A_250 = arith.remsi %add3A_232, %jit3A_233 : i32
      %ne3A_251 = arith.constant 0 : i32
      %ne3A_252 = arith.cmpi ne, %rem3A_250, %ne3A_251 : i32
      %and3A_253 = arith.andi %ne3A_249, %ne3A_252 : i1
      %sub3A_254 = arith.constant 1 : i32
      %sub3A_255 = arith.subi %div3A_234, %sub3A_254 : i32
      %select_n3A_256 = arith.select %and3A_253, %sub3A_255, %div3A_234 : i32
      %jit3A_257 = arith.constant 4 : i32
      %eq3A_258 = arith.constant 0 : i32
      %eq3A_259 = arith.cmpi eq, %jit3A_257, %eq3A_258 : i32
      %jit3A_260 = arith.constant 1 : i32
      %select_n3A_261 = arith.select %eq3A_259, %jit3A_260, %jit3A_257 : i32
      %rem3A_262 = arith.remsi %add3A_232, %select_n3A_261 : i32
      %ne3A_263 = arith.constant 0 : i32
      %ne3A_264 = arith.cmpi ne, %rem3A_262, %ne3A_263 : i32
      %lt3A_265 = arith.constant 0 : i32
      %lt3A_266 = arith.cmpi slt, %rem3A_262, %lt3A_265 : i32
      %lt3A_267 = arith.constant 0 : i32
      %lt3A_268 = arith.cmpi slt, %select_n3A_261, %lt3A_267 : i32
      %ne3A_269 = arith.xori %lt3A_266, %lt3A_268 : i1
      %and3A_270 = arith.andi %ne3A_269, %ne3A_264 : i1
      %add3A_271 = arith.addi %rem3A_262, %select_n3A_261 : i32
      %select_n3A_272 = arith.select %and3A_270, %add3A_271, %rem3A_262 : i32
      %mul3A_273 = arith.constant 26 : i32
      %mul3A_274 = arith.muli %add3A, %mul3A_273 : i32
      %add3A_275 = arith.addi %mul3A_274, %select_n3A_256 : i32
      %jit3A_276 = arith.constant 32 : i32
      %div3A_277 = arith.divsi %add3A_275, %jit3A_276 : i32
      %sign3A_278 = arith.constant 0 : i32
      %sign3A_279 = arith.cmpi sgt, %add3A_275, %sign3A_278 : i32
      %sign3A_280 = arith.extui %sign3A_279 : i1 to i32
      %sign3A_281 = arith.constant 0 : i32
      %sign3A_282 = arith.cmpi slt, %add3A_275, %sign3A_281 : i32
      %sign3A_283 = arith.extui %sign3A_282 : i1 to i32
      %sign3A_284 = arith.subi %sign3A_280, %sign3A_283 : i32
      %sign3A_285 = arith.constant 0 : i32
      %sign3A_286 = arith.cmpi sgt, %jit3A_276, %sign3A_285 : i32
      %sign3A_287 = arith.extui %sign3A_286 : i1 to i32
      %sign3A_288 = arith.constant 0 : i32
      %sign3A_289 = arith.cmpi slt, %jit3A_276, %sign3A_288 : i32
      %sign3A_290 = arith.extui %sign3A_289 : i1 to i32
      %sign3A_291 = arith.subi %sign3A_287, %sign3A_290 : i32
      %ne3A_292 = arith.cmpi ne, %sign3A_284, %sign3A_291 : i32
      %rem3A_293 = arith.remsi %add3A_275, %jit3A_276 : i32
      %ne3A_294 = arith.constant 0 : i32
      %ne3A_295 = arith.cmpi ne, %rem3A_293, %ne3A_294 : i32
      %and3A_296 = arith.andi %ne3A_292, %ne3A_295 : i1
      %sub3A_297 = arith.constant 1 : i32
      %sub3A_298 = arith.subi %div3A_277, %sub3A_297 : i32
      %select_n3A_299 = arith.select %and3A_296, %sub3A_298, %div3A_277 : i32
      %jit3A_300 = arith.constant 32 : i32
      %eq3A_301 = arith.constant 0 : i32
      %eq3A_302 = arith.cmpi eq, %jit3A_300, %eq3A_301 : i32
      %jit3A_303 = arith.constant 1 : i32
      %select_n3A_304 = arith.select %eq3A_302, %jit3A_303, %jit3A_300 : i32
      %rem3A_305 = arith.remsi %add3A_275, %select_n3A_304 : i32
      %ne3A_306 = arith.constant 0 : i32
      %ne3A_307 = arith.cmpi ne, %rem3A_305, %ne3A_306 : i32
      %lt3A_308 = arith.constant 0 : i32
      %lt3A_309 = arith.cmpi slt, %rem3A_305, %lt3A_308 : i32
      %lt3A_310 = arith.constant 0 : i32
      %lt3A_311 = arith.cmpi slt, %select_n3A_304, %lt3A_310 : i32
      %ne3A_312 = arith.xori %lt3A_309, %lt3A_311 : i1
      %and3A_313 = arith.andi %ne3A_312, %ne3A_307 : i1
      %add3A_314 = arith.addi %rem3A_305, %select_n3A_304 : i32
      %select_n3A_315 = arith.select %and3A_313, %add3A_314, %rem3A_305 : i32
      %eq3A_316 = arith.constant 0 : i32
      %eq3A_317 = arith.cmpi eq, %select_n3A_272, %eq3A_316 : i32
      %convert_element_type3A_318 = arith.extui %eq3A_317 : i1 to i32
      %cond3A_319 = arith.constant 0 : i32
      %cond3A_320 = arith.cmpi ne, %convert_element_type3A_318, %cond3A_319 : i32
      scf.if %cond3A_320 {
        "tpu.region"() ({
          %run_scoped3A = tpu.sem_alloc : memref<!tpu.dma_semaphore, #tpu.memory_space<semaphore_mem>>
          %dma_start3A_340 = arith.constant 0 : i32
          %dma_start3A_341 = tpu.memref_slice %arg2[%select_n3A_299, %select_n3A_315, %dma_start3A_340] : memref<26x32x100000xf32, #tpu.memory_space<hbm>> -> memref<1x1x100000xf32, #tpu.memory_space<hbm>>
          %dma_start3A_342 = tpu.memref_squeeze %dma_start3A_341 : memref<1x1x100000xf32, #tpu.memory_space<hbm>> -> memref<100000xf32, #tpu.memory_space<hbm>>
          %dma_start3A_343 = arith.constant 0 : i32
          %dma_start3A_344 = tpu.memref_slice %arg2[%select_n3A_299, %select_n3A_315, %dma_start3A_343] : memref<26x32x100000xf32, #tpu.memory_space<hbm>> -> memref<1x1x100000xf32, #tpu.memory_space<hbm>>
          %dma_start3A_345 = tpu.memref_squeeze %dma_start3A_344 : memref<1x1x100000xf32, #tpu.memory_space<hbm>> -> memref<100000xf32, #tpu.memory_space<hbm>>
          tpu.enqueue_dma source(%dma_start3A_345 : memref<100000xf32, #tpu.memory_space<hbm>>) target(%arg5 : memref<100000xf32, #tpu.memory_space<vmem>>) target_semaphore(%run_scoped3A : memref<!tpu.dma_semaphore, #tpu.memory_space<semaphore_mem>>)
          %dma_wait3A_346 = arith.constant 0 : i32
          %dma_wait3A_347 = tpu.memref_slice %arg2[%select_n3A_299, %select_n3A_315, %dma_wait3A_346] : memref<26x32x100000xf32, #tpu.memory_space<hbm>> -> memref<1x1x100000xf32, #tpu.memory_space<hbm>>
          %dma_wait3A_348 = tpu.memref_squeeze %dma_wait3A_347 : memref<1x1x100000xf32, #tpu.memory_space<hbm>> -> memref<100000xf32, #tpu.memory_space<hbm>>
          %dma_wait3A_349 = arith.constant 0 : i32
          %dma_wait3A_350 = tpu.memref_slice %arg2[%select_n3A_299, %select_n3A_315, %dma_wait3A_349] : memref<26x32x100000xf32, #tpu.memory_space<hbm>> -> memref<1x1x100000xf32, #tpu.memory_space<hbm>>
          %dma_wait3A_351 = tpu.memref_squeeze %dma_wait3A_350 : memref<1x1x100000xf32, #tpu.memory_space<hbm>> -> memref<100000xf32, #tpu.memory_space<hbm>>
          tpu.wait_dma2 semaphore(%run_scoped3A : memref<!tpu.dma_semaphore, #tpu.memory_space<semaphore_mem>>) src(%dma_wait3A_351 : memref<100000xf32, #tpu.memory_space<hbm>>) dst(%arg5 : memref<100000xf32, #tpu.memory_space<vmem>>)
          tpu.yield
        }) : () -> ()
      } else {
      }
      %ne3A_321 = arith.cmpi ne, %select_n3A_299, %select_n3A_190 : i32
      %convert_element_type3A_322 = arith.extui %ne3A_321 : i1 to i32
      %cond3A_323 = arith.constant 0 : i32
      %cond3A_324 = arith.cmpi ne, %convert_element_type3A_322, %cond3A_323 : i32
      scf.if %cond3A_324 {
        "tpu.region"() ({
          %run_scoped3A = tpu.sem_alloc : memref<!tpu.dma_semaphore, #tpu.memory_space<semaphore_mem>>
          %dma_start3A_340 = arith.constant 0 : i32
          %dma_start3A_341 = tpu.memref_slice %arg3[%select_n3A_299, %dma_start3A_340] : memref<26x16384xi32, #tpu.memory_space<hbm>> -> memref<1x16384xi32, #tpu.memory_space<hbm>>
          %dma_start3A_342 = tpu.memref_squeeze %dma_start3A_341 : memref<1x16384xi32, #tpu.memory_space<hbm>> -> memref<16384xi32, #tpu.memory_space<hbm>>
          %dma_start3A_343 = arith.constant 0 : i32
          %dma_start3A_344 = tpu.memref_slice %arg3[%select_n3A_299, %dma_start3A_343] : memref<26x16384xi32, #tpu.memory_space<hbm>> -> memref<1x16384xi32, #tpu.memory_space<hbm>>
          %dma_start3A_345 = tpu.memref_squeeze %dma_start3A_344 : memref<1x16384xi32, #tpu.memory_space<hbm>> -> memref<16384xi32, #tpu.memory_space<hbm>>
          tpu.enqueue_dma source(%dma_start3A_345 : memref<16384xi32, #tpu.memory_space<hbm>>) target(%arg6 : memref<16384xi32, #tpu.memory_space<vmem>>) target_semaphore(%run_scoped3A : memref<!tpu.dma_semaphore, #tpu.memory_space<semaphore_mem>>)
          %dma_wait3A_346 = arith.constant 0 : i32
          %dma_wait3A_347 = tpu.memref_slice %arg3[%select_n3A_299, %dma_wait3A_346] : memref<26x16384xi32, #tpu.memory_space<hbm>> -> memref<1x16384xi32, #tpu.memory_space<hbm>>
          %dma_wait3A_348 = tpu.memref_squeeze %dma_wait3A_347 : memref<1x16384xi32, #tpu.memory_space<hbm>> -> memref<16384xi32, #tpu.memory_space<hbm>>
          %dma_wait3A_349 = arith.constant 0 : i32
          %dma_wait3A_350 = tpu.memref_slice %arg3[%select_n3A_299, %dma_wait3A_349] : memref<26x16384xi32, #tpu.memory_space<hbm>> -> memref<1x16384xi32, #tpu.memory_space<hbm>>
          %dma_wait3A_351 = tpu.memref_squeeze %dma_wait3A_350 : memref<1x16384xi32, #tpu.memory_space<hbm>> -> memref<16384xi32, #tpu.memory_space<hbm>>
          tpu.wait_dma2 semaphore(%run_scoped3A : memref<!tpu.dma_semaphore, #tpu.memory_space<semaphore_mem>>) src(%dma_wait3A_351 : memref<16384xi32, #tpu.memory_space<hbm>>) dst(%arg6 : memref<16384xi32, #tpu.memory_space<vmem>>)
          tpu.yield
        }) : () -> ()
      } else {
      }
      %mul3A_325 = arith.constant 4096 : i32
      %mul3A_326 = arith.muli %select_n3A_272, %mul3A_325 : i32
      %dma_wait3A_327 = tpu.memref_slice %arg4[%add3A_275, %mul3A_326] : memref<832x16384xf32, #tpu.memory_space<hbm>> -> memref<1x4096xf32, #tpu.memory_space<hbm>>
      %dma_wait3A_328 = tpu.memref_squeeze %dma_wait3A_327 : memref<1x4096xf32, #tpu.memory_space<hbm>> -> memref<4096xf32, #tpu.memory_space<hbm>>
      %dma_wait3A_329 = tpu.memref_slice %arg4[%add3A_275, %mul3A_326] : memref<832x16384xf32, #tpu.memory_space<hbm>> -> memref<1x4096xf32, #tpu.memory_space<hbm>>
      %dma_wait3A_330 = tpu.memref_squeeze %dma_wait3A_329 : memref<1x4096xf32, #tpu.memory_space<hbm>> -> memref<4096xf32, #tpu.memory_space<hbm>>
      tpu.wait_dma2 semaphore(%arg10 : memref<!tpu.dma_semaphore, #tpu.memory_space<semaphore_mem>>) src(%arg8 : memref<4096xf32, #tpu.memory_space<vmem>>) dst(%dma_wait3A_330 : memref<4096xf32, #tpu.memory_space<hbm>>)
      %parallel_loop3A_331 = arith.constant 0 : i32
      %parallel_loop3A_332 = arith.constant 4096 : i32
      %parallel_loop3A_333 = arith.constant 16 : i32
      scf.for %parallel_loop3A_340 = %parallel_loop3A_331 to %parallel_loop3A_332 step %parallel_loop3A_333  : i32 {
        %parallel_loop3A_341 = arith.constant 4096 : i32
        %parallel_loop3A_342 = arith.muli %select_n3A_272, %parallel_loop3A_341 : i32
        %parallel_loop3A_343 = arith.addi %parallel_loop3A_342, %parallel_loop3A_340 : i32
        %parallel_loop3A_344 = arith.index_cast %parallel_loop3A_343 : i32 to index
        %parallel_loop3A_345 = tpu.vector_load %arg6[%parallel_loop3A_344] {strides = array<i32>} : memref<16384xi32, #tpu.memory_space<vmem>>, vector<16xi32>,
        %parallel_loop3A_346 = tpu.vector_load_idx %arg5[%parallel_loop3A_345] : memref<100000xf32, #tpu.memory_space<vmem>>[vector<16xi32>], vector<16xf32>,
        %parallel_loop3A_347 = arith.index_cast %parallel_loop3A_340 : i32 to index
        %parallel_loop3A_348 = tpu.vector_load %arg8[%parallel_loop3A_347] {strides = array<i32>} : memref<4096xf32, #tpu.memory_space<vmem>>, vector<16xf32>,
        tpu.vector_store %arg8[%parallel_loop3A_347], %parallel_loop3A_346 {strides = array<i32>} : memref<4096xf32, #tpu.memory_space<vmem>>, vector<16xf32>,
      } {sc.loop_unroll_factor = 16 : i64, sc.parallel_access}
      %mul3A_334 = arith.constant 4096 : i32
      %mul3A_335 = arith.muli %select_n3A_272, %mul3A_334 : i32
      %dma_start3A_336 = tpu.memref_slice %arg4[%add3A_275, %mul3A_335] : memref<832x16384xf32, #tpu.memory_space<hbm>> -> memref<1x4096xf32, #tpu.memory_space<hbm>>
      %dma_start3A_337 = tpu.memref_squeeze %dma_start3A_336 : memref<1x4096xf32, #tpu.memory_space<hbm>> -> memref<4096xf32, #tpu.memory_space<hbm>>
      %dma_start3A_338 = tpu.memref_slice %arg4[%add3A_275, %mul3A_335] : memref<832x16384xf32, #tpu.memory_space<hbm>> -> memref<1x4096xf32, #tpu.memory_space<hbm>>
      %dma_start3A_339 = tpu.memref_squeeze %dma_start3A_338 : memref<1x4096xf32, #tpu.memory_space<hbm>> -> memref<4096xf32, #tpu.memory_space<hbm>>
      tpu.enqueue_dma source(%arg8 : memref<4096xf32, #tpu.memory_space<vmem>>) target(%dma_start3A_339 : memref<4096xf32, #tpu.memory_space<hbm>>) target_semaphore(%arg10 : memref<!tpu.dma_semaphore, #tpu.memory_space<semaphore_mem>>)
      scf.yield %select_n3A_299 : i32
    }
    %scan3A_106 = arith.constant 51 : i32
    %dma_wait3A = arith.constant 831 : i32
    %dma_wait3A_107 = arith.constant 0 : i32
    %dma_wait3A_108 = tpu.memref_slice %arg4[%dma_wait3A, %dma_wait3A_107] : memref<832x16384xf32, #tpu.memory_space<hbm>> -> memref<1x4096xf32, #tpu.memory_space<hbm>>
    %dma_wait3A_109 = tpu.memref_squeeze %dma_wait3A_108 : memref<1x4096xf32, #tpu.memory_space<hbm>> -> memref<4096xf32, #tpu.memory_space<hbm>>
    %dma_wait3A_110 = arith.constant 0 : i32
    %dma_wait3A_111 = tpu.memref_slice %arg4[%dma_wait3A, %dma_wait3A_110] : memref<832x16384xf32, #tpu.memory_space<hbm>> -> memref<1x4096xf32, #tpu.memory_space<hbm>>
    %dma_wait3A_112 = tpu.memref_squeeze %dma_wait3A_111 : memref<1x4096xf32, #tpu.memory_space<hbm>> -> memref<4096xf32, #tpu.memory_space<hbm>>
    tpu.wait_dma2 semaphore(%arg9 : memref<!tpu.dma_semaphore, #tpu.memory_space<semaphore_mem>>) src(%arg7 : memref<4096xf32, #tpu.memory_space<vmem>>) dst(%dma_wait3A_112 : memref<4096xf32, #tpu.memory_space<hbm>>)
    %dma_wait3A_113 = arith.constant 831 : i32
    %dma_wait3A_114 = arith.constant 0 : i32
    %dma_wait3A_115 = tpu.memref_slice %arg4[%dma_wait3A_113, %dma_wait3A_114] : memref<832x16384xf32, #tpu.memory_space<hbm>> -> memref<1x4096xf32, #tpu.memory_space<hbm>>
    %dma_wait3A_116 = tpu.memref_squeeze %dma_wait3A_115 : memref<1x4096xf32, #tpu.memory_space<hbm>> -> memref<4096xf32, #tpu.memory_space<hbm>>
    %dma_wait3A_117 = arith.constant 0 : i32
    %dma_wait3A_118 = tpu.memref_slice %arg4[%dma_wait3A_113, %dma_wait3A_117] : memref<832x16384xf32, #tpu.memory_space<hbm>> -> memref<1x4096xf32, #tpu.memory_space<hbm>>
    %dma_wait3A_119 = tpu.memref_squeeze %dma_wait3A_118 : memref<1x4096xf32, #tpu.memory_space<hbm>> -> memref<4096xf32, #tpu.memory_space<hbm>>
    tpu.wait_dma2 semaphore(%arg10 : memref<!tpu.dma_semaphore, #tpu.memory_space<semaphore_mem>>) src(%arg8 : memref<4096xf32, #tpu.memory_space<vmem>>) dst(%dma_wait3A_119 : memref<4096xf32, #tpu.memory_space<hbm>>)
    return
  }
}

</mosaic_0001>

<sc_bundles>
// kernel: kernel.3.cloned.1.call-start
scs
__scs_entry_jumppad:
0x0: {  	(pc) =	sbr.rel $0x88, $3  }
0x1: {  	(tag) =	ssettag $0x0;
	lr =	simm.s32 $0x1  }
0x2: {  	[smem:$0x3F9F] =	sst lr;
	_ =	strace $0xD0000000  }
0x3: {  	_ = 	snop  }
0x4: {  	_ = 	snop  }
0x5: {  	_ = 	snop  }
0x6: {  	_ = 	snop  }
0x7: {  	_ = 	snop  }
__scs_overlays_trampoline_lowered:
0x8: {  	[smem:$0x3FAE] =	sst s0  }
0x9: {  	[smem:$0x3FAF] =	sst s1  }
0xa: {  	[smem:$0x3FB0] =	sst s2  }
0xb: {  	[smem:$0x3FB1] =	sst s3  }
0xc: {  	[smem:$0x3FB2] =	sst s4  }
0xd: {  	[smem:$0x3FB3] =	sst s5  }
0xe: {  	[smem:$0x3FB4] =	sst s6  }
0xf: {  	[smem:$0x3FB5] =	sst s7  }
0x10: {  	[smem:$0x3FB6] =	sst s8  }
0x11: {  	[smem:$0x3FB7] =	sst s9;
	s0 =	simm.s32 @!p0 $0x0  }
0x12: {  	s1 =	sld [smem:$0x3F9D];
	s0 =	simm.s32 @p0 $0x1  }
0x13: {  	[smem:$0x3FB8] =	sst s0;
	s0 =	simm.s32 @!p1 $0x0  }
0x14: {  	s2 =	sld [smem:$0x3F9C];
	s0 =	simm.s32 @p1 $0x1  }
0x15: {  	[smem:$0x3FB9] =	sst s0;
	s0 =	simm.s32 @!p2 $0x0  }
0x16: {  	s3 =	sld [smem:$0x3FDB];
	s0 =	simm.s32 @p2 $0x1  }
0x17: {  	s4 =	simm.s32 $0x1BF5;
	[smem:$0x3FBB] =	sst s0  }
0x18: {  	s0 =	sld [smem:$0x3F9E];
	_ =	swait.ge [sflag:s4], $0x0  }
0x19: {  	s7 =	sld [smem:$0x3F9F]  }
0x1a: {  	s8 =	sadd.s32 $0xFFFFE003, lr  }
0x1b: {  	s9 =	sadd.s32 $0xFFFFFEF7, lr;
	s5 =	simm.s32 $0xFFFFFFFF;
	p2 =	slt.u32 s8, $0xFFFFF086  }
0x1c: {  	p1 =	slt.u32 s9, $0xF7A;
	s5 =	simm.s32 @!p2 $0x0  }
0x1d: {  	s5 =	simm.s32 @p1 $0x1;
	p0 =	seq.s32 s7, s2  }
0x1e: {  	s7 =	smul.u32 @!p0 $0xF7A, s2;
	p2 =	seq.s32 @!p0 s5, $0x0  }
0x1f: {  	s9 =	smul.u32 $0xF7A, s1;
	s8 =	simm.s32 @!p0 $0x1BF5;
	p2 =	por !p2, p0  }
0x20: {  	[sflag:s8] =	ssyncset.s32 @!p0 $0xFFFFF086;
	s6 =	sadd.s32 @!p0 s3, s7;
	s7 =	simm.s32 @!p0 $0x108  }
0x21: {  	s3 =	sadd.s32 s3, s9;
	s6 =	sadd.s32 @!p0 $0x88, s6;
	s7 =	simm.s32 @p2 $0x1082  }
0x22: {  	[simem:s7], [sflag:s8] =	dma.local @!p0 [hbm:s6], $0xF7A  }
0x23: {  	s9 =	sor.u32 $0xD0000000, s2;
	s6 =	simm.s32 $0x108;
	_ =	swait.ge @!p0 [sflag:s8], $0x0  }
0x24: {  	s3 =	sadd.s32 $0x88, s3;
	s6 =	simm.s32 @!p1 $0x1082;
	[sflag:s4] =	ssyncset.s32 $0xFFFFF086  }
0x25: {  	[simem:s6], [sflag:s4] =	dma.local [hbm:s3], $0xF7A  }
0x26: {  	[smem:$0x3F9F] =	sst s1;
	(tag) =	ssettag s2;
	_ =	strace s9  }
0x27: {  	s1 =	sld [smem:$0x3FAF]  }
0x28: {  	s2 =	sld [smem:$0x3FB0]  }
0x29: {  	s4 =	sld [smem:$0x3FB2]  }
0x2a: {  	p0 =	seq.s32 s5, $0x0;
	s5 =	sld [smem:$0x3FB3]  }
0x2b: {  	s6 =	sld [smem:$0x3FB4]  }
0x2c: {  	s7 =	sld [smem:$0x3FB5]  }
0x2d: {  	s3 =	simm.s32 $0x108;
	s8 =	sld [smem:$0x3FB6]  }
0x2e: {  	s3 =	simm.s32 @!p0 $0x1082;
	s9 =	sld [smem:$0x3FB7]  }
0x2f: {  	lr =	sadd.s32 s0, s3;
	s0 =	sld [smem:$0x3FAE]  }
0x30: {  	s3 =	sld [smem:$0x3FB1]  }
0x31: {  	[smem:$0x3FBA] =	sst s10  }
0x32: {  	s10 =	sld [smem:$0x3FB8];
	_ =	sdelay $0x3  }
0x33: {  	p0 =	seq.s32 s10, $0x1;
	s10 =	sld [smem:$0x3FBA];
	_ =	sdelay $0x3  }
0x34: {  	[smem:$0x3FBA] =	sst s10  }
0x35: {  	s10 =	sld [smem:$0x3FB9];
	_ =	sdelay $0x3  }
0x36: {  	p1 =	seq.s32 s10, $0x1;
	s10 =	sld [smem:$0x3FBA];
	_ =	sdelay $0x3  }
0x37: {  	[smem:$0x3FBA] =	sst s10  }
0x38: {  	s10 =	sld [smem:$0x3FBB]  }
0x39: {  	_ = 	snop;
	(pc) =	sbr.ind lr, $3  }
0x3a: {  	_ = 	snop  }
0x3b: {  	_ = 	snop  }
0x3c: {  	p2 =	seq.s32 s10, $0x1;
	s10 =	sld [smem:$0x3FBA]  }
0x3d: {  	_ =	shalt  }
0x3e: {  	_ =	shalt  }
0x3f: {  	_ =	shalt  }
0x40: {  	_ =	shalt  }
0x41: {  	_ =	shalt  }
0x42: {  	_ =	shalt  }
0x43: {  	_ =	shalt  }
0x44: {  	_ =	shalt  }
0x45: {  	_ =	shalt  }
0x46: {  	_ =	shalt  }
0x47: {  	_ =	shalt  }
0x48: {  	_ =	shalt  }
0x49: {  	_ =	shalt  }
0x4a: {  	_ =	shalt  }
0x4b: {  	_ =	shalt  }
0x4c: {  	_ =	shalt  }
0x4d: {  	_ =	shalt  }
0x4e: {  	_ =	shalt  }
0x4f: {  	_ =	shalt  }
0x50: {  	_ =	shalt  }
0x51: {  	_ =	shalt  }
0x52: {  	_ =	shalt  }
0x53: {  	_ =	shalt  }
0x54: {  	_ =	shalt  }
0x55: {  	_ =	shalt  }
0x56: {  	_ =	shalt  }
0x57: {  	_ =	shalt  }
0x58: {  	_ =	shalt  }
0x59: {  	_ =	shalt  }
0x5a: {  	_ =	shalt  }
0x5b: {  	_ =	shalt  }
0x5c: {  	_ =	shalt  }
0x5d: {  	_ =	shalt  }
0x5e: {  	_ =	shalt  }
0x5f: {  	_ =	shalt  }
0x60: {  	_ =	shalt  }
0x61: {  	_ =	shalt  }
0x62: {  	_ =	shalt  }
0x63: {  	_ =	shalt  }
0x64: {  	_ =	shalt  }
0x65: {  	_ =	shalt  }
0x66: {  	_ =	shalt  }
0x67: {  	_ =	shalt  }
0x68: {  	_ =	shalt  }
0x69: {  	_ =	shalt  }
0x6a: {  	_ =	shalt  }
0x6b: {  	_ =	shalt  }
0x6c: {  	_ =	shalt  }
0x6d: {  	_ =	shalt  }
0x6e: {  	_ =	shalt  }
0x6f: {  	_ =	shalt  }
0x70: {  	_ =	shalt  }
0x71: {  	_ =	shalt  }
0x72: {  	_ =	shalt  }
0x73: {  	_ =	shalt  }
0x74: {  	_ =	shalt  }
0x75: {  	_ =	shalt  }
0x76: {  	_ =	shalt  }
0x77: {  	_ =	shalt  }
0x78: {  	_ =	shalt  }
0x79: {  	_ =	shalt  }
0x7a: {  	_ =	shalt  }
0x7b: {  	_ =	shalt  }
0x7c: {  	_ =	shalt  }
0x7d: {  	_ =	shalt  }
0x7e: {  	_ =	shalt  }
0x7f: {  	_ =	shalt  }
0x80: {  	_ =	shalt  }
0x81: {  	_ =	shalt  }
0x82: {  	_ =	shalt  }
0x83: {  	_ =	shalt  }
0x84: {  	_ =	shalt  }
0x85: {  	_ =	shalt  }
0x86: {  	_ =	shalt  }
0x87: {  	_ =	shalt  }
.Lfunc_end0:
.L_simem_size_0:
called_computation_lowered:
.L_overlay_start_0:
0x88: {  	s2 =	sld [smem:$0x3FD9]  }
0x89: {  	s3 =	sld [smem:$0x3FFE];
	_ =	sdelay $0x1  }
0x8a: {  	s1 =	srdreg.scid  }
0x8b: {  	s0 =	sand.u32 $0x1, s1  }
0x8c: {  	s18 =	sshll.u32 s0, $0xA;
	s2 =	sadd.s32 s3, s2  }
0x8d: {  	s2 =	sadd.s32 s2, s18  }
0x8e: {  	[smem:$0x3FC6] =	sst s2  }
0x8f: {  	_ = 	snop  }
0x90: {  	s2 =	sld [smem:$0x3FC9]  }
0x91: {  	s19 =	sld [smem:$0x3FC8]  }
0x92: {  	s4 =	sld [smem:$0x3FD0];
	(tm) =	ssettm $0x1  }
0x93: {  	s5 =	sld [smem:$0x3FFB];
	_ =	sdelay $0x3  }
0x94: {  	_ =	strace s5  }
0x95: {  	s5 =	sld [smem:$0x3FFC];
	_ =	sdelay $0x3  }
0x96: {  	_ =	strace s5  }
0x97: {  	s5 =	sld [smem:$0x3FFD];
	_ =	sdelay $0x3  }
0x98: {  	_ =	strace s5  }
0x99: {  	_ =	strace $0x8FFFFFFF  }
0x9a: {  	s20 =	sld [smem:$0x3FDB];
	_ =	sdelay $0x1  }
0x9b: {  	s6 =	simm.s32 $_scs_section_size  }
0x9c: {  	s7 =	simm.s32 $_size__tile_overlayer_lowered;
	s8 =	simm.s32 $_tile_overlayer_lowered  }
0x9d: {  	s23 =	simm.s32 $0x1BFF;
	s22 =	sshll.u32 s8, $0x1;
	s5 =	sadd.s32 s6, s20  }
0x9e: {  	s9 =	simm.s32 $0x0;
	s21 =	sshll.u32 s7, $0x1;
	s7 =	sadd.s32 s22, s5  }
0x9f: {  	[timem:s9], [sflag:s23] =	dma.local [hbm:s7], s21  }
0xa0: {  	_ =	swait.ge [sflag:s23], s21  }
0xa1: {  	s6 =	ssub.s32 $0x0, s21;
	[sflag:s23] =	ssyncset.done $0x0  }
0xa2: {  	[sflag:s23] =	ssyncadd.s32 s6;
	_ =	sdelay $0x1  }
0xa3: {  	s24 =	simm.s32 $0x1B8B  }
0xa4: {  	_ =	swait.ge [sflag:s24], $0x1  }
0xa5: {  	[sflag:s24] =	ssyncset.done $0x0  }
0xa6: {  	s25 =	simm.s32 $0x1B8E;
	[sflag:s24] =	ssyncadd.s32 $0xFFFFFFFF  }
0xa7: {  	s26 =	simm.s32 $execute0_lowered;
	[smem:$0x3FD2] =	sst s25  }
0xa8: {  	s6 =	sshll.u32 s26, $0x1;
	_ =	strace $0x80000046;
	[dreg:$0x1] =	wrdreg $0xFFFFFFFF  }
0xa9: {  	s28 =	simm.s32 $_size_execute0_lowered;
	s5 =	sadd.s32 s5, s6;
	[dreg:$0x0] =	wrdreg $0x0  }
0xaa: {  	s6 =	sshll.u32 s28, $0x1;
	[dreg:$0x2] =	wrdreg s5  }
0xab: {  	[dreg:$0x3] =	wrdreg s6  }
0xac: {  	[dreg:$0x4] =	wrdreg $0xC0  }
0xad: {  	_ =	task [dreg:s9], $0x5FFFF  }
0xae: {  	[dreg:$0x1] =	wrdreg $0xFFFFFFFF  }
0xaf: {  	[dreg:$0x0] =	wrdreg $0x60  }
0xb0: {  	[dreg:$0x2] =	wrdreg s19  }
0xb1: {  	[dreg:$0x3] =	wrdreg s2  }
0xb2: {  	[dreg:$0x4] =	wrdreg s4  }
0xb3: {  	[dreg:$0x5] =	wrdreg $0x9  }
0xb4: {  	_ =	task.clear_ibuf [dreg:s9], $0x6FFFF;
	_ =	strace $0x90000046  }
0xb5: {  	s29 =	simm.s32 $0x9;
	_ =	strace $0x80000048  }
0xb6: {  	_ =	swait.ge [sflag:s29], $0x1  }
0xb7: {  	[sflag:s29] =	ssyncadd.s32 $0xFFFFFFFF  }
0xb8: {  	_ =	strace $0x90000048  }
0xb9: {  	_ =	sfence  }
0xba: {  	s30 =	sld [smem:$0x0];
	_ =	sdelay $0x2  }
0xbb: {  	s31 =	sshll.u32 s1, $0xD;
	s1 =	sshrl.u32 s1, $0x2  }
0xbc: {  	s3 =	sand.u32 $0x4000, s31;
	s1 =	sadd.s32 s1, s30  }
0xbd: {  	s0 =	sor.u32 s3, s0;
	s1 =	sshll.u32 s1, $0x11  }
0xbe: {  	s0 =	sor.u32 s1, s0  }
0xbf: {  	s0 =	sadd.s32 $0x8F2B, s0  }
0xc0: {  	[sflag:s0] =	ssyncadd.remote.s32 $0x1  }
0xc1: {  	_ =	sfence.sel $0xFFFF  }
0xc2: {  	[dreg:$0x0] =	wrdreg $0xFFFFFFFF;
	(pc) =	sbr.abs _section_cstart, $3  }
0xc3: {  	[dreg:$0x1] =	wrdreg $0xFFFFFFFF  }
0xc4: {  	_ =	task.clear_ibuf [dreg:s9], $0x2FFFF;
	_ =	strace $0x9FFFFFFF  }
0xc5: {  	(tm) =	ssettm $0x7FFFFFFF  }
tec
execute0_lowered:
.L_overlay_start_1:
0x0: {  	(tag) =	ssettag $0x1  }
0x1: {  	s1 =	srdreg.scid;
	s2 =	rddreg [dreg:$0x0]  }
0x2: {  	s0 =	stileid.u32;
	s3 =	rddreg [dreg:$0x1]  }
0x3: {  	s5 =	rddreg [dreg:$0x2];
	s7 =	simm.s32 $0x0;
	s14 =	simm.s32 $0x400  }
0x4: {  	s15 =	simm.s32 $0x3;
	s16 =	simm.s32 $0x18700;
	s17 =	simm.s32 $0x1C700  }
0x5: {  	s18 =	simm.s32 $0x1D700;
	s8 =	sand.u32 $0x1, s1;
	s25 =	sshll.u32 s0, $0x1  }
0x6: {  	s19 =	simm.s32 $0x1;
	s20 =	simm.s32 $0x2;
	s9 =	sor.u32 s8, s25  }
0x7: {  	s21 =	simm.s32 $0x0;
	[smem:$0x7FF] =	sst s7;
	s4 =	smul.u32 $0x1A, s9  }
0x8: {  	_ =	strace $0x80000047;
	s8 =	ssub.s32 $0x2, s8;
	s28 =	smul.u32 $0x68000, s9  }
0x9: {  	s13 =	sshrl.u32 s8, $0x1;
	s6 =	sshrl.u32 s4, $0x5;
	s10 =	sand.u32 $0x18, s4  }
0xa: {  	s9 =	sshll.u32 s9, $0x8;
	s11 =	smul.u32 $0x30E000, s6;
	s10 =	sshrl.u32 s10, $0x3  }
0xb: {  	s13 =	ssub.s32 s8, s13;
	s12 =	sshll.u32 s4, $0x7;
	s10 =	smul.u32 $0xC3800, s10  }
0xc: {  	s9 =	sor.u32 s9, s28;
	s30 =	sshrl.u32 s4, $0x1;
	s31 =	sshll.u32 s4, $0x6  }
0xd: {  	s26 =	sand.u32 $0x300, s12;
	s9 =	sand.u32 $0xFE0300, s9;
	s10 =	sadd.s32 s11, s10  }
0xe: {  	s12 =	smax.u32 s13, $0x1;
	s13 =	simm.s32 $0x80;
	s10 =	sor.u32 s26, s10  }
0xf: {  	s9 =	sshrl.u32 s9, $0x3;
	s29 =	sshrl.u32 s10, $0x3;
	s10 =	sand.u32 $0x70, s30  }
0x10: {  	s9 =	sadd.s32 s5, s9;
	s11 =	sand.u32 $0xC000, s31;
	s10 =	sadd.s32 s3, s10  }
0x11: {  	s8 =	sadd.s32 s2, s29;
	s10 =	sadd.s32 s11, s10;
	s11 =	sadd.s32 $0x1000, s9  }
.LBB2_1:
0x12: {  	[tilespmem:s7], [sflag:$0x3] =	stream.strided.gather [hbm4b:s8+s13], $0x18700, s14, s13, $0x38;
	[tilespmem:$0x1E700] =	vst v63  }
0x13: {  	_ =	swait.ge [sflag:s15], $0x18700  }
0x14: {  	[sflag:s15] =	ssyncset.done $0x0  }
0x15: {  	[sflag:s15] =	ssyncadd.s32 $0xFFFE7900  }
0x16: {  	[tilespmem:s16], [sflag:$0x3] =	stream.strided.gather [hbm4b:s10+s13], $0x4000, s14, s13, $0x38;
	[tilespmem:$0x1E700] =	vst v63  }
0x17: {  	_ =	swait.ge [sflag:s15], $0x4000  }
0x18: {  	[sflag:s15] =	ssyncset.done $0x0  }
0x19: {  	s22 =	simm.s32 $0x18780;
	[sflag:s15] =	ssyncadd.s32 $0xFFFFC000  }
0x1a: {  	v0 =	vld [tilespmem:s22+$0x70]  }
0x1b: {  	v1 =	vld [tilespmem:s22+$0xFFFFFF90]  }
0x1c: {  	v2 =	vld [tilespmem:s22+$0xFFFFFFA0]  }
0x1d: {  	v3 =	vld [tilespmem:s22+$0xFFFFFFB0]  }
0x1e: {  	v4 =	vld [tilespmem:s22+$0xFFFFFFC0]  }
0x1f: {  	v5 =	vld [tilespmem:s22+$0xFFFFFFD0]  }
0x20: {  	v6 =	vld [tilespmem:s22+$0xFFFFFFE0]  }
0x21: {  	v7 =	vld [tilespmem:s22+$0xFFFFFFF0]  }
0x22: {  	v8 =	vld [tilespmem:s22+$0x0]  }
0x23: {  	v9 =	vld [tilespmem:s22+$0x10]  }
0x24: {  	v10 =	vld [tilespmem:s22+$0x20]  }
0x25: {  	v11 =	vld [tilespmem:s22+$0x30]  }
0x26: {  	v12 =	vld [tilespmem:s22+$0x40]  }
0x27: {  	v13 =	vld [tilespmem:s22+$0x50]  }
0x28: {  	v14 =	vld [tilespmem:s22+$0x60]  }
0x29: {  	v15 =	vld [tilespmem:s22+$0xFFFFFF80]  }
0x2a: {  	v0 =	vld.idx.msk [tilespmem:v0+s7+$0x0], $0xffff  }
0x2b: {  	v1 =	vld.idx.msk [tilespmem:v1+s7+$0x0], $0xffff  }
0x2c: {  	v2 =	vld.idx.msk [tilespmem:v2+s7+$0x0], $0xffff  }
0x2d: {  	v3 =	vld.idx.msk [tilespmem:v3+s7+$0x0], $0xffff  }
0x2e: {  	v4 =	vld.idx.msk [tilespmem:v4+s7+$0x0], $0xffff  }
0x2f: {  	s22 =	simm.s32 $0x1C780;
	v5 =	vld.idx.msk [tilespmem:v5+s7+$0x0], $0xffff  }
0x30: {  	v6 =	vld.idx.msk [tilespmem:v6+s7+$0x0], $0xffff;
	[tilespmem:s22+$0x70] =	vst v0  }
0x31: {  	v7 =	vld.idx.msk [tilespmem:v7+s7+$0x0], $0xffff;
	[tilespmem:s22+$0xFFFFFF90] =	vst v1  }
0x32: {  	v15 =	vld.idx.msk [tilespmem:v15+s7+$0x0], $0xffff;
	[tilespmem:s22+$0xFFFFFFA0] =	vst v2  }
0x33: {  	v8 =	vld.idx.msk [tilespmem:v8+s7+$0x0], $0xffff;
	[tilespmem:s22+$0xFFFFFFB0] =	vst v3  }
0x34: {  	[tilespmem:s22+$0xFFFFFFC0] =	vst v4;
	v0 =	vld.idx.msk [tilespmem:v9+s7+$0x0], $0xffff  }
0x35: {  	[tilespmem:s22+$0xFFFFFFD0] =	vst v5;
	v1 =	vld.idx.msk [tilespmem:v10+s7+$0x0], $0xffff  }
0x36: {  	[tilespmem:s22+$0xFFFFFFE0] =	vst v6;
	v2 =	vld.idx.msk [tilespmem:v11+s7+$0x0], $0xffff  }
0x37: {  	[tilespmem:s22+$0xFFFFFFF0] =	vst v7;
	v3 =	vld.idx.msk [tilespmem:v12+s7+$0x0], $0xffff  }
0x38: {  	[tilespmem:s22+$0xFFFFFF80] =	vst v15;
	v4 =	vld.idx.msk [tilespmem:v13+s7+$0x0], $0xffff  }
0x39: {  	s23 =	simm.s32 $0x0;
	s24 =	simm.s32 $0x18880;
	[tilespmem:s22+$0x0] =	vst v8;
	v5 =	vld.idx.msk [tilespmem:v14+s7+$0x0], $0xffff  }
.LBB2_2:
0x3a: {  	v6 =	vld [tilespmem:s24+$0x70];
	s23 =	sadd.s32 $0x100, s23;
	[tilespmem:s22+$0x10] =	vst v0  }
0x3b: {  	v0 =	vld [tilespmem:s24+$0xFFFFFF90];
	p0 =	slt.u32 s23, $0xF00;
	[tilespmem:s22+$0x20] =	vst v1  }
0x3c: {  	v1 =	vld [tilespmem:s24+$0xFFFFFFA0];
	[tilespmem:s22+$0x30] =	vst v2  }
0x3d: {  	v2 =	vld [tilespmem:s24+$0xFFFFFFB0];
	[tilespmem:s22+$0x40] =	vst v3  }
0x3e: {  	v3 =	vld [tilespmem:s24+$0xFFFFFFC0];
	[tilespmem:s22+$0x50] =	vst v4  }
0x3f: {  	v4 =	vld [tilespmem:s24+$0xFFFFFFD0];
	[tilespmem:s22+$0x60] =	vst v5  }
0x40: {  	v5 =	vld [tilespmem:s24+$0xFFFFFFE0]  }
0x41: {  	v7 =	vld [tilespmem:s24+$0xFFFFFFF0]  }
0x42: {  	v6 =	vld.idx.msk [tilespmem:v6+s7+$0x0], $0xffff  }
0x43: {  	v8 =	vld [tilespmem:s24+$0x0]  }
0x44: {  	v9 =	vld [tilespmem:s24+$0x10]  }
0x45: {  	v10 =	vld [tilespmem:s24+$0x20]  }
0x46: {  	v11 =	vld [tilespmem:s24+$0x30]  }
0x47: {  	s22 =	sadd.s32 $0x100, s22;
	v12 =	vld [tilespmem:s24+$0x40]  }
0x48: {  	v13 =	vld [tilespmem:s24+$0x50];
	[tilespmem:s22+$0x70] =	vst v6  }
0x49: {  	v6 =	vld [tilespmem:s24+$0x60]  }
0x4a: {  	v14 =	vld [tilespmem:s24+$0xFFFFFF80]  }
0x4b: {  	v0 =	vld.idx.msk [tilespmem:v0+s7+$0x0], $0xffff  }
0x4c: {  	v1 =	vld.idx.msk [tilespmem:v1+s7+$0x0], $0xffff  }
0x4d: {  	v2 =	vld.idx.msk [tilespmem:v2+s7+$0x0], $0xffff  }
0x4e: {  	v3 =	vld.idx.msk [tilespmem:v3+s7+$0x0], $0xffff  }
0x4f: {  	v4 =	vld.idx.msk [tilespmem:v4+s7+$0x0], $0xffff  }
0x50: {  	v5 =	vld.idx.msk [tilespmem:v5+s7+$0x0], $0xffff  }
0x51: {  	[tilespmem:s22+$0xFFFFFF90] =	vst v0;
	v7 =	vld.idx.msk [tilespmem:v7+s7+$0x0], $0xffff  }
0x52: {  	v14 =	vld.idx.msk [tilespmem:v14+s7+$0x0], $0xffff;
	[tilespmem:s22+$0xFFFFFFA0] =	vst v1  }
0x53: {  	[tilespmem:s22+$0xFFFFFFB0] =	vst v2;
	v8 =	vld.idx.msk [tilespmem:v8+s7+$0x0], $0xffff  }
0x54: {  	[tilespmem:s22+$0xFFFFFFC0] =	vst v3;
	v0 =	vld.idx.msk [tilespmem:v9+s7+$0x0], $0xffff  }
.Ltmp0:
0x55: {  	[tilespmem:s22+$0xFFFFFFD0] =	vst v4;
	v1 =	vld.idx.msk [tilespmem:v10+s7+$0x0], $0xffff;
	(pc) =	sbr.rel @p0 .LBB2_2-.Ltmp0, $4  }
0x56: {  	[tilespmem:s22+$0xFFFFFFE0] =	vst v5;
	v2 =	vld.idx.msk [tilespmem:v11+s7+$0x0], $0xffff  }
0x57: {  	[tilespmem:s22+$0xFFFFFFF0] =	vst v7;
	v3 =	vld.idx.msk [tilespmem:v12+s7+$0x0], $0xffff  }
0x58: {  	[tilespmem:s22+$0xFFFFFF80] =	vst v14;
	v4 =	vld.idx.msk [tilespmem:v13+s7+$0x0], $0xffff  }
0x59: {  	s24 =	sadd.s32 $0x100, s24;
	[tilespmem:s22+$0x0] =	vst v8;
	v5 =	vld.idx.msk [tilespmem:v6+s7+$0x0], $0xffff  }
0x5a: {  	[tilespmem:s22+$0x10] =	vst v0  }
0x5b: {  	[tilespmem:s22+$0x20] =	vst v1  }
0x5c: {  	[tilespmem:s22+$0x30] =	vst v2  }
0x5d: {  	[tilespmem:s22+$0x40] =	vst v3  }
0x5e: {  	[tilespmem:s22+$0x50] =	vst v4  }
0x5f: {  	s31 =	simm.s32 $0x197F0;
	[tilespmem:s22+$0x60] =	vst v5  }
0x60: {  	[hbm4b:s9+s13] =	stream.strided.scatter [tilespmem:s17], [sflag:$0x1], $0x1000, s14, s13, $0x38;
	[tilespmem:$0x1E700] =	vst v63  }
0x61: {  	v0 =	vld [tilespmem:s31+$0x0]  }
0x62: {  	v1 =	vld [tilespmem:s31+$0xFFFFFF20]  }
0x63: {  	v2 =	vld [tilespmem:s31+$0xFFFFFF30]  }
0x64: {  	v3 =	vld [tilespmem:s31+$0xFFFFFF40]  }
0x65: {  	v4 =	vld [tilespmem:s31+$0xFFFFFF50]  }
0x66: {  	v5 =	vld [tilespmem:s31+$0xFFFFFF60]  }
0x67: {  	v6 =	vld [tilespmem:s31+$0xFFFFFF70]  }
0x68: {  	v7 =	vld [tilespmem:s31+$0xFFFFFF80]  }
0x69: {  	v8 =	vld [tilespmem:s31+$0xFFFFFF90]  }
0x6a: {  	v9 =	vld [tilespmem:s31+$0xFFFFFFA0]  }
0x6b: {  	v10 =	vld [tilespmem:s31+$0xFFFFFFB0]  }
0x6c: {  	v11 =	vld [tilespmem:s31+$0xFFFFFFC0]  }
0x6d: {  	v12 =	vld [tilespmem:s31+$0xFFFFFFD0]  }
0x6e: {  	v13 =	vld [tilespmem:s31+$0xFFFFFFE0]  }
0x6f: {  	v14 =	vld [tilespmem:s31+$0xFFFFFFF0]  }
0x70: {  	v15 =	vld [tilespmem:s31+$0xFFFFFF10]  }
0x71: {  	v0 =	vld.idx.msk [tilespmem:v0+s7+$0x0], $0xffff  }
0x72: {  	v1 =	vld.idx.msk [tilespmem:v1+s7+$0x0], $0xffff  }
0x73: {  	v2 =	vld.idx.msk [tilespmem:v2+s7+$0x0], $0xffff  }
0x74: {  	v3 =	vld.idx.msk [tilespmem:v3+s7+$0x0], $0xffff  }
0x75: {  	v4 =	vld.idx.msk [tilespmem:v4+s7+$0x0], $0xffff  }
0x76: {  	s22 =	simm.s32 $0x1D780;
	v5 =	vld.idx.msk [tilespmem:v5+s7+$0x0], $0xffff  }
0x77: {  	v6 =	vld.idx.msk [tilespmem:v6+s7+$0x0], $0xffff;
	[tilespmem:s22+$0x70] =	vst v0  }
0x78: {  	v7 =	vld.idx.msk [tilespmem:v7+s7+$0x0], $0xffff;
	[tilespmem:s22+$0xFFFFFF90] =	vst v1  }
0x79: {  	v15 =	vld.idx.msk [tilespmem:v15+s7+$0x0], $0xffff;
	[tilespmem:s22+$0xFFFFFFA0] =	vst v2  }
0x7a: {  	v8 =	vld.idx.msk [tilespmem:v8+s7+$0x0], $0xffff;
	[tilespmem:s22+$0xFFFFFFB0] =	vst v3  }
0x7b: {  	[tilespmem:s22+$0xFFFFFFC0] =	vst v4;
	v0 =	vld.idx.msk [tilespmem:v9+s7+$0x0], $0xffff  }
0x7c: {  	[tilespmem:s22+$0xFFFFFFD0] =	vst v5;
	v1 =	vld.idx.msk [tilespmem:v10+s7+$0x0], $0xffff  }
0x7d: {  	[tilespmem:s22+$0xFFFFFFE0] =	vst v6;
	v2 =	vld.idx.msk [tilespmem:v11+s7+$0x0], $0xffff  }
0x7e: {  	[tilespmem:s22+$0xFFFFFFF0] =	vst v7;
	v3 =	vld.idx.msk [tilespmem:v12+s7+$0x0], $0xffff  }
0x7f: {  	[tilespmem:s22+$0xFFFFFF80] =	vst v15;
	v4 =	vld.idx.msk [tilespmem:v13+s7+$0x0], $0xffff  }
0x80: {  	s23 =	simm.s32 $0x0;
	s24 =	simm.s32 $0x198F0;
	[tilespmem:s22+$0x0] =	vst v8;
	v5 =	vld.idx.msk [tilespmem:v14+s7+$0x0], $0xffff  }
.LBB2_4:
0x81: {  	v6 =	vld [tilespmem:s24+$0x0];
	s23 =	sadd.s32 $0x100, s23;
	[tilespmem:s22+$0x10] =	vst v0  }
0x82: {  	v0 =	vld [tilespmem:s24+$0xFFFFFF20];
	p0 =	slt.u32 s23, $0xF00;
	[tilespmem:s22+$0x20] =	vst v1  }
0x83: {  	v1 =	vld [tilespmem:s24+$0xFFFFFF30];
	[tilespmem:s22+$0x30] =	vst v2  }
0x84: {  	v2 =	vld [tilespmem:s24+$0xFFFFFF40];
	[tilespmem:s22+$0x40] =	vst v3  }
0x85: {  	v3 =	vld [tilespmem:s24+$0xFFFFFF50];
	[tilespmem:s22+$0x50] =	vst v4  }
0x86: {  	v4 =	vld [tilespmem:s24+$0xFFFFFF60];
	[tilespmem:s22+$0x60] =	vst v5  }
0x87: {  	v5 =	vld [tilespmem:s24+$0xFFFFFF70]  }
0x88: {  	v7 =	vld [tilespmem:s24+$0xFFFFFF80]  }
0x89: {  	v6 =	vld.idx.msk [tilespmem:v6+s7+$0x0], $0xffff  }
0x8a: {  	v8 =	vld [tilespmem:s24+$0xFFFFFF90]  }
0x8b: {  	v9 =	vld [tilespmem:s24+$0xFFFFFFA0]  }
0x8c: {  	v10 =	vld [tilespmem:s24+$0xFFFFFFB0]  }
0x8d: {  	v11 =	vld [tilespmem:s24+$0xFFFFFFC0]  }
0x8e: {  	s22 =	sadd.s32 $0x100, s22;
	v12 =	vld [tilespmem:s24+$0xFFFFFFD0]  }
0x8f: {  	v13 =	vld [tilespmem:s24+$0xFFFFFFE0];
	[tilespmem:s22+$0x70] =	vst v6  }
0x90: {  	v6 =	vld [tilespmem:s24+$0xFFFFFFF0]  }
0x91: {  	v14 =	vld [tilespmem:s24+$0xFFFFFF10]  }
0x92: {  	v0 =	vld.idx.msk [tilespmem:v0+s7+$0x0], $0xffff  }
0x93: {  	v1 =	vld.idx.msk [tilespmem:v1+s7+$0x0], $0xffff  }
0x94: {  	v2 =	vld.idx.msk [tilespmem:v2+s7+$0x0], $0xffff  }
0x95: {  	v3 =	vld.idx.msk [tilespmem:v3+s7+$0x0], $0xffff  }
0x96: {  	v4 =	vld.idx.msk [tilespmem:v4+s7+$0x0], $0xffff  }
0x97: {  	v5 =	vld.idx.msk [tilespmem:v5+s7+$0x0], $0xffff  }
0x98: {  	[tilespmem:s22+$0xFFFFFF90] =	vst v0;
	v7 =	vld.idx.msk [tilespmem:v7+s7+$0x0], $0xffff  }
0x99: {  	v14 =	vld.idx.msk [tilespmem:v14+s7+$0x0], $0xffff;
	[tilespmem:s22+$0xFFFFFFA0] =	vst v1  }
0x9a: {  	[tilespmem:s22+$0xFFFFFFB0] =	vst v2;
	v8 =	vld.idx.msk [tilespmem:v8+s7+$0x0], $0xffff  }
0x9b: {  	[tilespmem:s22+$0xFFFFFFC0] =	vst v3;
	v0 =	vld.idx.msk [tilespmem:v9+s7+$0x0], $0xffff  }
.Ltmp1:
0x9c: {  	[tilespmem:s22+$0xFFFFFFD0] =	vst v4;
	v1 =	vld.idx.msk [tilespmem:v10+s7+$0x0], $0xffff;
	(pc) =	sbr.rel @p0 .LBB2_4-.Ltmp1, $4  }
0x9d: {  	[tilespmem:s22+$0xFFFFFFE0] =	vst v5;
	v2 =	vld.idx.msk [tilespmem:v11+s7+$0x0], $0xffff  }
0x9e: {  	[tilespmem:s22+$0xFFFFFFF0] =	vst v7;
	v3 =	vld.idx.msk [tilespmem:v12+s7+$0x0], $0xffff  }
0x9f: {  	[tilespmem:s22+$0xFFFFFF80] =	vst v14;
	v4 =	vld.idx.msk [tilespmem:v13+s7+$0x0], $0xffff  }
0xa0: {  	s24 =	sadd.s32 $0x100, s24;
	[tilespmem:s22+$0x0] =	vst v8;
	v5 =	vld.idx.msk [tilespmem:v6+s7+$0x0], $0xffff  }
0xa1: {  	[tilespmem:s22+$0x10] =	vst v0  }
0xa2: {  	[tilespmem:s22+$0x20] =	vst v1  }
0xa3: {  	[tilespmem:s22+$0x30] =	vst v2  }
0xa4: {  	[tilespmem:s22+$0x40] =	vst v3  }
0xa5: {  	[tilespmem:s22+$0x50] =	vst v4  }
0xa6: {  	p0 =	por $0x1, $0x1;
	s23 =	smov.u32 s6;
	[tilespmem:s22+$0x60] =	vst v5;
	s22 =	simm.s32 $0x1  }
0xa7: {  	[hbm4b:s11+s13] =	stream.strided.scatter [tilespmem:s18], [sflag:$0x2], $0x1000, s14, s13, $0x38;
	[tilespmem:$0x1E700] =	vst v63  }
.LBB2_6:
0xa8: {  	s24 =	sshll.u32 s22, $0x1  }
0xa9: {  	s25 =	sshrl.u32 s22, $0x1;
	s24 =	sand.u32 $0x2, s24  }
0xaa: {  	s25 =	sadd.s32 s4, s25;
	p1 =	sne.s32 s24, $0x0  }
0xab: {  	s26 =	smov.u32 s23;
	s23 =	sshrl.u32 s25, $0x5;
	s28 =	sshrl.u32 @!p1 s25, $0x3  }
0xac: {  	s29 =	smul.u32 @!p1 $0x30E000, s23;
	s28 =	sand.u32 @!p1 $0x3, s28  }
0xad: {  	s28 =	smul.u32 @!p1 $0xC3800, s28  }
0xae: {  	s30 =	sshll.u32 @!p1 s25, $0x7  }
0xaf: {  	s28 =	sadd.s32 @!p1 s29, s28;
	s29 =	sand.u32 @!p1 $0x380, s30  }
0xb0: {  	s31 =	simm.s32 @!p1 $0x0;
	s28 =	sor.u32 @!p1 s29, s28  }
0xb1: {  	p2 =	seq.s32 s23, s26;
	s26 =	simm.s32 @!p1 $0x3;
	s28 =	sshrl.u32 @!p1 s28, $0x3  }
0xb2: {  	s30 =	simm.s32 @!p1 $0x400;
	s29 =	simm.s32 @!p1 $0x80;
	s28 =	sadd.s32 @!p1 s2, s28  }
0xb3: {  	[tilespmem:s31], [sflag:$0x3] =	stream.strided.gather @!p1 [hbm4b:s28+s29], $0x18700, s30, s29, $0x38;
	[tilespmem:$0x1E700] =	vst v63  }
0xb4: {  	s28 =	sshll.u32 @!p2 s23, $0x4;
	s29 =	sshll.u32 @!p2 s23, $0xB;
	_ =	swait.ge @!p1 [sflag:s26], $0x18700  }
0xb5: {  	s30 =	simm.s32 @!p2 $0x18700;
	s28 =	sand.u32 @!p2 $0x70, s28;
	[sflag:s26] =	ssyncset.done @!p1 $0x0  }
0xb6: {  	s29 =	sand.u32 @!p2 $0xFFFC000, s29;
	s28 =	sadd.s32 @!p2 s3, s28;
	[sflag:s26] =	ssyncadd.s32 @!p1 $0xFFFE7900  }
0xb7: {  	s26 =	sadd.s32 @!p2 s29, s28;
	s28 =	simm.s32 @!p2 $0x80;
	s29 =	simm.s32 @!p2 $0x400  }
0xb8: {  	[tilespmem:s30], [sflag:$0x3] =	stream.strided.gather @!p2 [hbm4b:s26+s28], $0x4000, s29, s28, $0x38;
	[tilespmem:$0x1E700] =	vst v63  }
0xb9: {  	s26 =	simm.s32 @!p2 $0x3  }
0xba: {  	_ =	swait.ge @!p2 [sflag:s26], $0x4000  }
0xbb: {  	[sflag:s26] =	ssyncset.done @!p2 $0x0  }
0xbc: {  	s28 =	simm.s32 $0x1;
	[sflag:s26] =	ssyncadd.s32 @!p2 $0xFFFFC000  }
0xbd: {  	s28 =	simm.s32 @!p0 $0x0;
	_ =	swait.ge [sflag:s19], $0x1000  }
0xbe: {  	s29 =	sshll.u32 s28, $0xD;
	[sflag:s19] =	ssyncset.done $0x0  }
0xbf: {  	s31 =	sor.u32 $0x18780, s29;
	[sflag:s19] =	ssyncadd.s32 $0xFFFFF000  }
0xc0: {  	v0 =	vld [tilespmem:s31+$0x70]  }
0xc1: {  	v1 =	vld [tilespmem:s31+$0xFFFFFF90]  }
0xc2: {  	v2 =	vld [tilespmem:s31+$0xFFFFFFA0]  }
0xc3: {  	v3 =	vld [tilespmem:s31+$0xFFFFFFB0]  }
0xc4: {  	v4 =	vld [tilespmem:s31+$0xFFFFFFC0]  }
0xc5: {  	v5 =	vld [tilespmem:s31+$0xFFFFFFD0]  }
0xc6: {  	v6 =	vld [tilespmem:s31+$0xFFFFFFE0]  }
0xc7: {  	v7 =	vld [tilespmem:s31+$0xFFFFFFF0]  }
0xc8: {  	v8 =	vld [tilespmem:s31+$0x0]  }
0xc9: {  	v9 =	vld [tilespmem:s31+$0x10]  }
0xca: {  	v10 =	vld [tilespmem:s31+$0x20]  }
0xcb: {  	v11 =	vld [tilespmem:s31+$0x30]  }
0xcc: {  	v12 =	vld [tilespmem:s31+$0x40]  }
0xcd: {  	v13 =	vld [tilespmem:s31+$0x50]  }
0xce: {  	v14 =	vld [tilespmem:s31+$0x60]  }
0xcf: {  	v15 =	vld [tilespmem:s31+$0xFFFFFF80]  }
0xd0: {  	v0 =	vld.idx.msk [tilespmem:v0+s7+$0x0], $0xffff  }
0xd1: {  	v1 =	vld.idx.msk [tilespmem:v1+s7+$0x0], $0xffff  }
0xd2: {  	v2 =	vld.idx.msk [tilespmem:v2+s7+$0x0], $0xffff  }
0xd3: {  	v3 =	vld.idx.msk [tilespmem:v3+s7+$0x0], $0xffff  }
0xd4: {  	v4 =	vld.idx.msk [tilespmem:v4+s7+$0x0], $0xffff  }
0xd5: {  	s28 =	simm.s32 $0x1C780;
	v5 =	vld.idx.msk [tilespmem:v5+s7+$0x0], $0xffff  }
0xd6: {  	v6 =	vld.idx.msk [tilespmem:v6+s7+$0x0], $0xffff;
	[tilespmem:s28+$0x70] =	vst v0  }
0xd7: {  	v7 =	vld.idx.msk [tilespmem:v7+s7+$0x0], $0xffff;
	[tilespmem:s28+$0xFFFFFF90] =	vst v1  }
0xd8: {  	v15 =	vld.idx.msk [tilespmem:v15+s7+$0x0], $0xffff;
	[tilespmem:s28+$0xFFFFFFA0] =	vst v2  }
0xd9: {  	v8 =	vld.idx.msk [tilespmem:v8+s7+$0x0], $0xffff;
	[tilespmem:s28+$0xFFFFFFB0] =	vst v3  }
0xda: {  	[tilespmem:s28+$0xFFFFFFC0] =	vst v4;
	v0 =	vld.idx.msk [tilespmem:v9+s7+$0x0], $0xffff  }
0xdb: {  	[tilespmem:s28+$0xFFFFFFD0] =	vst v5;
	v1 =	vld.idx.msk [tilespmem:v10+s7+$0x0], $0xffff  }
0xdc: {  	s30 =	sshll.u32 s25, $0x4;
	s26 =	sshll.u32 s25, $0xB;
	[tilespmem:s28+$0xFFFFFFE0] =	vst v6;
	v2 =	vld.idx.msk [tilespmem:v11+s7+$0x0], $0xffff  }
0xdd: {  	s1 =	sshll.u32 s24, $0xC;
	s25 =	sand.u32 $0xFFFC000, s26;
	s26 =	sand.u32 $0x70, s30;
	[tilespmem:s28+$0xFFFFFFF0] =	vst v7;
	v3 =	vld.idx.msk [tilespmem:v12+s7+$0x0], $0xffff  }
0xde: {  	s24 =	sor.u32 $0x197F0, s29;
	s1 =	sor.u32 s25, s1;
	s29 =	sadd.s32 s5, s26;
	[tilespmem:s28+$0xFFFFFF80] =	vst v15;
	v4 =	vld.idx.msk [tilespmem:v13+s7+$0x0], $0xffff  }
0xdf: {  	s30 =	simm.s32 $0x0;
	s29 =	sadd.s32 s1, s29;
	s31 =	sadd.s32 $0x100, s31;
	[tilespmem:s28+$0x0] =	vst v8;
	v5 =	vld.idx.msk [tilespmem:v14+s7+$0x0], $0xffff  }
.LBB2_7:
0xe0: {  	v6 =	vld [tilespmem:s31+$0x70];
	s30 =	sadd.s32 $0x100, s30;
	[tilespmem:s28+$0x10] =	vst v0  }
0xe1: {  	v0 =	vld [tilespmem:s31+$0xFFFFFF90];
	p1 =	slt.u32 s30, $0xF00;
	[tilespmem:s28+$0x20] =	vst v1  }
0xe2: {  	v1 =	vld [tilespmem:s31+$0xFFFFFFA0];
	[tilespmem:s28+$0x30] =	vst v2  }
0xe3: {  	v2 =	vld [tilespmem:s31+$0xFFFFFFB0];
	[tilespmem:s28+$0x40] =	vst v3  }
0xe4: {  	v3 =	vld [tilespmem:s31+$0xFFFFFFC0];
	[tilespmem:s28+$0x50] =	vst v4  }
0xe5: {  	v4 =	vld [tilespmem:s31+$0xFFFFFFD0];
	[tilespmem:s28+$0x60] =	vst v5  }
0xe6: {  	v5 =	vld [tilespmem:s31+$0xFFFFFFE0]  }
0xe7: {  	v7 =	vld [tilespmem:s31+$0xFFFFFFF0]  }
0xe8: {  	v6 =	vld.idx.msk [tilespmem:v6+s7+$0x0], $0xffff  }
0xe9: {  	v8 =	vld [tilespmem:s31+$0x0]  }
0xea: {  	v9 =	vld [tilespmem:s31+$0x10]  }
0xeb: {  	v10 =	vld [tilespmem:s31+$0x20]  }
0xec: {  	v11 =	vld [tilespmem:s31+$0x30]  }
0xed: {  	s28 =	sadd.s32 $0x100, s28;
	v12 =	vld [tilespmem:s31+$0x40]  }
0xee: {  	v13 =	vld [tilespmem:s31+$0x50];
	[tilespmem:s28+$0x70] =	vst v6  }
0xef: {  	v6 =	vld [tilespmem:s31+$0x60]  }
0xf0: {  	v14 =	vld [tilespmem:s31+$0xFFFFFF80]  }
0xf1: {  	v0 =	vld.idx.msk [tilespmem:v0+s7+$0x0], $0xffff  }
0xf2: {  	v1 =	vld.idx.msk [tilespmem:v1+s7+$0x0], $0xffff  }
0xf3: {  	v2 =	vld.idx.msk [tilespmem:v2+s7+$0x0], $0xffff  }
0xf4: {  	v3 =	vld.idx.msk [tilespmem:v3+s7+$0x0], $0xffff  }
0xf5: {  	v4 =	vld.idx.msk [tilespmem:v4+s7+$0x0], $0xffff  }
0xf6: {  	v5 =	vld.idx.msk [tilespmem:v5+s7+$0x0], $0xffff  }
0xf7: {  	[tilespmem:s28+$0xFFFFFF90] =	vst v0;
	v7 =	vld.idx.msk [tilespmem:v7+s7+$0x0], $0xffff  }
0xf8: {  	v14 =	vld.idx.msk [tilespmem:v14+s7+$0x0], $0xffff;
	[tilespmem:s28+$0xFFFFFFA0] =	vst v1  }
0xf9: {  	[tilespmem:s28+$0xFFFFFFB0] =	vst v2;
	v8 =	vld.idx.msk [tilespmem:v8+s7+$0x0], $0xffff  }
0xfa: {  	[tilespmem:s28+$0xFFFFFFC0] =	vst v3;
	v0 =	vld.idx.msk [tilespmem:v9+s7+$0x0], $0xffff  }
.Ltmp2:
0xfb: {  	[tilespmem:s28+$0xFFFFFFD0] =	vst v4;
	v1 =	vld.idx.msk [tilespmem:v10+s7+$0x0], $0xffff;
	(pc) =	sbr.rel @p1 .LBB2_7-.Ltmp2, $4  }
0xfc: {  	[tilespmem:s28+$0xFFFFFFE0] =	vst v5;
	v2 =	vld.idx.msk [tilespmem:v11+s7+$0x0], $0xffff  }
0xfd: {  	[tilespmem:s28+$0xFFFFFFF0] =	vst v7;
	v3 =	vld.idx.msk [tilespmem:v12+s7+$0x0], $0xffff  }
0xfe: {  	[tilespmem:s28+$0xFFFFFF80] =	vst v14;
	v4 =	vld.idx.msk [tilespmem:v13+s7+$0x0], $0xffff  }
0xff: {  	s31 =	sadd.s32 $0x100, s31;
	[tilespmem:s28+$0x0] =	vst v8;
	v5 =	vld.idx.msk [tilespmem:v6+s7+$0x0], $0xffff  }
0x100: {  	[tilespmem:s28+$0x10] =	vst v0  }
0x101: {  	[tilespmem:s28+$0x20] =	vst v1  }
0x102: {  	[tilespmem:s28+$0x30] =	vst v2  }
0x103: {  	[tilespmem:s28+$0x40] =	vst v3  }
0x104: {  	[tilespmem:s28+$0x50] =	vst v4  }
0x105: {  	[tilespmem:s28+$0x60] =	vst v5  }
0x106: {  	[hbm4b:s29+s13] =	stream.strided.scatter [tilespmem:s17], [sflag:$0x1], $0x1000, s14, s13, $0x38;
	[tilespmem:$0x1E700] =	vst v63  }
0x107: {  	_ =	swait.ge [sflag:s20], $0x1000  }
0x108: {  	[sflag:s20] =	ssyncset.done $0x0  }
0x109: {  	[sflag:s20] =	ssyncadd.s32 $0xFFFFF000  }
0x10a: {  	v0 =	vld [tilespmem:s24+$0x0]  }
0x10b: {  	v1 =	vld [tilespmem:s24+$0xFFFFFF20]  }
0x10c: {  	v2 =	vld [tilespmem:s24+$0xFFFFFF30]  }
0x10d: {  	v3 =	vld [tilespmem:s24+$0xFFFFFF40]  }
0x10e: {  	v4 =	vld [tilespmem:s24+$0xFFFFFF50]  }
0x10f: {  	v5 =	vld [tilespmem:s24+$0xFFFFFF60]  }
0x110: {  	v6 =	vld [tilespmem:s24+$0xFFFFFF70]  }
0x111: {  	v7 =	vld [tilespmem:s24+$0xFFFFFF80]  }
0x112: {  	v8 =	vld [tilespmem:s24+$0xFFFFFF90]  }
0x113: {  	v9 =	vld [tilespmem:s24+$0xFFFFFFA0]  }
0x114: {  	v10 =	vld [tilespmem:s24+$0xFFFFFFB0]  }
0x115: {  	v11 =	vld [tilespmem:s24+$0xFFFFFFC0]  }
0x116: {  	v12 =	vld [tilespmem:s24+$0xFFFFFFD0]  }
0x117: {  	v13 =	vld [tilespmem:s24+$0xFFFFFFE0]  }
0x118: {  	v14 =	vld [tilespmem:s24+$0xFFFFFFF0]  }
0x119: {  	v15 =	vld [tilespmem:s24+$0xFFFFFF10]  }
0x11a: {  	v0 =	vld.idx.msk [tilespmem:v0+s7+$0x0], $0xffff  }
0x11b: {  	v1 =	vld.idx.msk [tilespmem:v1+s7+$0x0], $0xffff  }
0x11c: {  	v2 =	vld.idx.msk [tilespmem:v2+s7+$0x0], $0xffff  }
0x11d: {  	v3 =	vld.idx.msk [tilespmem:v3+s7+$0x0], $0xffff  }
0x11e: {  	v4 =	vld.idx.msk [tilespmem:v4+s7+$0x0], $0xffff  }
0x11f: {  	s28 =	simm.s32 $0x1D780;
	v5 =	vld.idx.msk [tilespmem:v5+s7+$0x0], $0xffff  }
0x120: {  	v6 =	vld.idx.msk [tilespmem:v6+s7+$0x0], $0xffff;
	[tilespmem:s28+$0x70] =	vst v0  }
0x121: {  	v7 =	vld.idx.msk [tilespmem:v7+s7+$0x0], $0xffff;
	[tilespmem:s28+$0xFFFFFF90] =	vst v1  }
0x122: {  	v15 =	vld.idx.msk [tilespmem:v15+s7+$0x0], $0xffff;
	[tilespmem:s28+$0xFFFFFFA0] =	vst v2  }
0x123: {  	v8 =	vld.idx.msk [tilespmem:v8+s7+$0x0], $0xffff;
	[tilespmem:s28+$0xFFFFFFB0] =	vst v3  }
0x124: {  	[tilespmem:s28+$0xFFFFFFC0] =	vst v4;
	v0 =	vld.idx.msk [tilespmem:v9+s7+$0x0], $0xffff  }
0x125: {  	s1 =	sshll.u32 s22, $0xD;
	[tilespmem:s28+$0xFFFFFFD0] =	vst v5;
	v1 =	vld.idx.msk [tilespmem:v10+s7+$0x0], $0xffff  }
0x126: {  	s1 =	sand.u32 $0x2000, s1;
	[tilespmem:s28+$0xFFFFFFE0] =	vst v6;
	v2 =	vld.idx.msk [tilespmem:v11+s7+$0x0], $0xffff  }
0x127: {  	s25 =	sor.u32 s26, s25;
	s1 =	sadd.s32 s1, s5;
	[tilespmem:s28+$0xFFFFFFF0] =	vst v7;
	v3 =	vld.idx.msk [tilespmem:v12+s7+$0x0], $0xffff  }
0x128: {  	s1 =	sadd.s32 s25, s1;
	[tilespmem:s28+$0xFFFFFF80] =	vst v15;
	v4 =	vld.idx.msk [tilespmem:v13+s7+$0x0], $0xffff  }
0x129: {  	s26 =	simm.s32 $0x0;
	s25 =	sadd.s32 $0x1000, s1;
	s24 =	sadd.s32 $0x100, s24;
	[tilespmem:s28+$0x0] =	vst v8;
	v5 =	vld.idx.msk [tilespmem:v14+s7+$0x0], $0xffff  }
.LBB2_9:
0x12a: {  	v6 =	vld [tilespmem:s24+$0x0];
	s26 =	sadd.s32 $0x100, s26;
	[tilespmem:s28+$0x10] =	vst v0  }
0x12b: {  	v0 =	vld [tilespmem:s24+$0xFFFFFF20];
	p1 =	slt.u32 s26, $0xF00;
	[tilespmem:s28+$0x20] =	vst v1  }
0x12c: {  	v1 =	vld [tilespmem:s24+$0xFFFFFF30];
	[tilespmem:s28+$0x30] =	vst v2  }
0x12d: {  	v2 =	vld [tilespmem:s24+$0xFFFFFF40];
	[tilespmem:s28+$0x40] =	vst v3  }
0x12e: {  	v3 =	vld [tilespmem:s24+$0xFFFFFF50];
	[tilespmem:s28+$0x50] =	vst v4  }
0x12f: {  	v4 =	vld [tilespmem:s24+$0xFFFFFF60];
	[tilespmem:s28+$0x60] =	vst v5  }
0x130: {  	v5 =	vld [tilespmem:s24+$0xFFFFFF70]  }
0x131: {  	v7 =	vld [tilespmem:s24+$0xFFFFFF80]  }
0x132: {  	v6 =	vld.idx.msk [tilespmem:v6+s7+$0x0], $0xffff  }
0x133: {  	v8 =	vld [tilespmem:s24+$0xFFFFFF90]  }
0x134: {  	v9 =	vld [tilespmem:s24+$0xFFFFFFA0]  }
0x135: {  	v10 =	vld [tilespmem:s24+$0xFFFFFFB0]  }
0x136: {  	v11 =	vld [tilespmem:s24+$0xFFFFFFC0]  }
0x137: {  	s28 =	sadd.s32 $0x100, s28;
	v12 =	vld [tilespmem:s24+$0xFFFFFFD0]  }
0x138: {  	v13 =	vld [tilespmem:s24+$0xFFFFFFE0];
	[tilespmem:s28+$0x70] =	vst v6  }
0x139: {  	v6 =	vld [tilespmem:s24+$0xFFFFFFF0]  }
0x13a: {  	v14 =	vld [tilespmem:s24+$0xFFFFFF10]  }
0x13b: {  	v0 =	vld.idx.msk [tilespmem:v0+s7+$0x0], $0xffff  }
0x13c: {  	v1 =	vld.idx.msk [tilespmem:v1+s7+$0x0], $0xffff  }
0x13d: {  	v2 =	vld.idx.msk [tilespmem:v2+s7+$0x0], $0xffff  }
0x13e: {  	v3 =	vld.idx.msk [tilespmem:v3+s7+$0x0], $0xffff  }
0x13f: {  	v4 =	vld.idx.msk [tilespmem:v4+s7+$0x0], $0xffff  }
0x140: {  	v5 =	vld.idx.msk [tilespmem:v5+s7+$0x0], $0xffff  }
0x141: {  	[tilespmem:s28+$0xFFFFFF90] =	vst v0;
	v7 =	vld.idx.msk [tilespmem:v7+s7+$0x0], $0xffff  }
0x142: {  	v14 =	vld.idx.msk [tilespmem:v14+s7+$0x0], $0xffff;
	[tilespmem:s28+$0xFFFFFFA0] =	vst v1  }
0x143: {  	[tilespmem:s28+$0xFFFFFFB0] =	vst v2;
	v8 =	vld.idx.msk [tilespmem:v8+s7+$0x0], $0xffff  }
0x144: {  	[tilespmem:s28+$0xFFFFFFC0] =	vst v3;
	v0 =	vld.idx.msk [tilespmem:v9+s7+$0x0], $0xffff  }
.Ltmp3:
0x145: {  	[tilespmem:s28+$0xFFFFFFD0] =	vst v4;
	v1 =	vld.idx.msk [tilespmem:v10+s7+$0x0], $0xffff;
	(pc) =	sbr.rel @p1 .LBB2_9-.Ltmp3, $4  }
0x146: {  	[tilespmem:s28+$0xFFFFFFE0] =	vst v5;
	v2 =	vld.idx.msk [tilespmem:v11+s7+$0x0], $0xffff  }
0x147: {  	[tilespmem:s28+$0xFFFFFFF0] =	vst v7;
	v3 =	vld.idx.msk [tilespmem:v12+s7+$0x0], $0xffff  }
0x148: {  	[tilespmem:s28+$0xFFFFFF80] =	vst v14;
	v4 =	vld.idx.msk [tilespmem:v13+s7+$0x0], $0xffff  }
0x149: {  	s24 =	sadd.s32 $0x100, s24;
	[tilespmem:s28+$0x0] =	vst v8;
	v5 =	vld.idx.msk [tilespmem:v6+s7+$0x0], $0xffff  }
0x14a: {  	[tilespmem:s28+$0x10] =	vst v0;
	s22 =	sadd.s32 $0x1, s22  }
0x14b: {  	[tilespmem:s28+$0x20] =	vst v1;
	p1 =	sne.s32 s22, $0x34  }
.Ltmp4:
0x14c: {  	[tilespmem:s28+$0x30] =	vst v2;
	(pc) =	sbr.rel @p1 .LBB2_6-.Ltmp4, $4  }
0x14d: {  	[tilespmem:s28+$0x40] =	vst v3  }
0x14e: {  	[tilespmem:s28+$0x50] =	vst v4  }
0x14f: {  	p0 =	por !p0, !p0;
	[tilespmem:s28+$0x60] =	vst v5  }
0x150: {  	[hbm4b:s25+s13] =	stream.strided.scatter [tilespmem:s18], [sflag:$0x2], $0x1000, s14, s13, $0x38;
	[tilespmem:$0x1E700] =	vst v63  }
0x151: {  	s21 =	sadd.s32 $0x1, s21  }
0x152: {  	_ =	swait.ge [sflag:s19], $0x1000;
	p0 =	sne.s32 s21, s12  }
.Ltmp5:
0x153: {  	[sflag:s19] =	ssyncset.done $0x0;
	(pc) =	sbr.rel @p0 .LBB2_1-.Ltmp5, $4  }
0x154: {  	[sflag:s19] =	ssyncadd.s32 $0xFFFFF000  }
0x155: {  	_ =	swait.ge [sflag:s20], $0x1000  }
0x156: {  	[sflag:s20] =	ssyncset.done $0x0  }
0x157: {  	[sflag:s20] =	ssyncadd.s32 $0xFFFFF000  }
0x158: {  	_ =	sfence.sel $0x180000  }
0x159: {  	[bflag:$0x0] =	sbarrier.arrive $0xFFFF  }
0x15a: {  	_ =	strace $0x90000047  }
0x15b: {  	[bflag:$0x2] =	sbarrier.arrive $0xFFFF  }
0x15c: {  	p0 =	sne.s32 s0, $0x0;
	s0 =	rddreg [dreg:$0x3]  }
0x15d: {  	s0 =	sadd.s32 @!p0 $0x100000, s0  }
0x15e: {  	[sflag:s0] =	ssyncadd.tile.s32 @!p0 $0x1;
	_ =	shalt  }
.Lfunc_end2:
_tile_overlayer_lowered:
.L_overlay_start_2:
0x15f: {  	(tag) =	ssettag $0x2  }
0x160: {  	s0 =	rddreg [dreg:$0x0];
	s2 =	stileid.u32  }
0x161: {  	s1 =	rddreg [dreg:$0x1];
	p0 =	sne.s32 s2, $0x0  }
0x162: {  	s3 =	rddreg [dreg:$0x2];
	[bflag:$0x3] =	sbarrier.arrive $0xFFFF;
	s2 =	simm.s32 @!p0 $0x1C03  }
0x163: {  	[timem:s3], [sflag:s2] =	dma.local @!p0 [hbm:s0], s1  }
0x164: {  	s0 =	simm.s32 @!p0 $0x3  }
0x165: {  	_ =	swait.ge @!p0 [sflag:s0], s1  }
0x166: {  	s1 =	ssub.s32 @!p0 $0x0, s1;
	[sflag:s0] =	ssyncset.done @!p0 $0x0  }
0x167: {  	[sflag:s0] =	ssyncadd.s32 @!p0 s1  }
0x168: {  	[bflag:$0x3] =	sbarrier.arrive $0xFFFF  }
0x169: {  	_ =	shalt  }

</sc_bundles>
